<compile_context>
chip_gen: v7x
topology: tpu7x:2x2x1
jax: 0.10.2.dev20260603
libtpu: 0.0.44.dev20260713+nightly
codegen_flags: <defaults>
</compile_context>

<pallas_src>
import functools

import jax
import jax.numpy as jnp
from jax import lax
from jax.experimental import pallas as pl
from jax.experimental.pallas import tpu as pltpu
from jax.experimental.pallas import tpu_sc as plsc

N_NODES = 10000
D_FEAT = 128
DW = D_FEAT // 2
N_EDGES = 320000

NC = 2
NS = 16
NW = NC * NS

B = 16
SLOTS = 4
NB = 501
EPW = NB * B
E_SC = EPW * NW
NG = B // 16

TC_E = N_EDGES - E_SC
TC_B = 256
TC_NBLK = TC_E // TC_B
NSTAGE = 10
RPS = N_NODES // NSTAGE


def _make_edge_dot():
  mesh = plsc.VectorSubcoreMesh(core_axis_name="c", subcore_axis_name="s")

  @functools.partial(
      pl.kernel,
      out_type=jax.ShapeDtypeStruct((E_SC,), jnp.float32),
      mesh=mesh,
      compiler_params=pltpu.CompilerParams(
          needs_layout_passes=False, use_tc_tiling_on_sc=False),
      scratch_types=[
          pltpu.VMEM_SHARED((N_NODES, DW), jnp.int32),
          pltpu.VMEM((EPW,), jnp.int32),
          pltpu.VMEM((EPW,), jnp.int32),
          [pltpu.VMEM((B, DW), jnp.int32) for _ in range(SLOTS)],
          [pltpu.VMEM((B, DW), jnp.int32) for _ in range(SLOTS)],
          [pltpu.VMEM((B,), jnp.float32) for _ in range(SLOTS)],
          [pltpu.SemaphoreType.DMA for _ in range(SLOTS)],
          [pltpu.SemaphoreType.DMA for _ in range(SLOTS)],
      ],
  )
  def edge_dot(table, src_h, dst_h, out_h, shtab, isv, idv, rs, rd, ob,
               semg, semo):
    sid = lax.axis_index("s")
    wid = sid * NC + lax.axis_index("c")
    base = wid * EPW

    @pl.when(sid < NSTAGE)
    def _():
      pltpu.sync_copy(table.at[pl.ds(sid * RPS, RPS)],
                      shtab.at[pl.ds(sid * RPS, RPS)])
    pltpu.sync_copy(src_h.at[pl.ds(base, EPW)], isv)
    pltpu.sync_copy(dst_h.at[pl.ds(base, EPW)], idv)
    plsc.subcore_barrier()

    lanes = lax.iota(jnp.int32, 16)
    row_ids = [lanes + 16 * g for g in range(NG)]

    def off(i):
      return i * B

    def gathers(i, b):
      o = off(i)
      a = pltpu.make_async_copy(shtab.at[isv.at[pl.ds(o, B)]], rs[b], semg[b])
      c = pltpu.make_async_copy(shtab.at[idv.at[pl.ds(o, B)]], rd[b], semg[b])
      return a, c

    def start(i, b):
      a, c = gathers(i, b)
      a.start()
      c.start()

    def wait(i, b):
      a, c = gathers(i, b)
      a.wait()
      c.wait()

    def out_copy(i, b):
      return pltpu.make_async_copy(ob[b], out_h.at[pl.ds(base + off(i), B)],
                                   semo[b])

    def compute(i, b):
      def dbody(d, accs):
        col = jnp.full((16,), d, jnp.int32)
        new = []
        for g in range(NG):
          pa = plsc.load_gather(rs[b], [row_ids[g], col])
          pb = plsc.load_gather(rd[b], [row_ids[g], col])
          prod = (plsc.bitcast(pa, jnp.bfloat16)
                  * plsc.bitcast(pb, jnp.bfloat16))
          p0, p1 = plsc.unpack(prod, format=plsc.PackFormat.INTERLEAVED)
          new.append(accs[g] + p0 + p1)
        return tuple(new)
      accs = lax.fori_loop(
          0, DW, dbody,
          tuple(jnp.zeros((16,), jnp.float32) for _ in range(NG)),
          unroll=8)

      @pl.when(i >= SLOTS)
      def _():
        out_copy(i - SLOTS, b).wait()

      for g in range(NG):
        ob[b][pl.ds(16 * g, 16)] = accs[g]
      out_copy(i, b).start()

    for b in range(SLOTS):
      start(b, b)

    def quad(k, carry):
      i0 = SLOTS * k
      for b in range(SLOTS):
        i = i0 + b
        wait(i, b)
        compute(i, b)
        nxt = i + SLOTS

        @pl.when(nxt < NB)
        def _():
          start(nxt, b)
      return carry

    lax.fori_loop(0, NB // SLOTS, quad, 0)
    wait(NB - 1, 0)
    compute(NB - 1, 0)
    for b, i in ((1, NB - 4), (2, NB - 3), (3, NB - 2), (0, NB - 1)):
      out_copy(i, b).wait()

  return edge_dot


def _tc_body(si_ref, di_ref, tbl_ref, out_ref, arow, brow):
  def load_rows(k, carry):
    arow[pl.ds(k, 1), :] = tbl_ref[pl.ds(si_ref[k], 1), :]
    brow[pl.ds(k, 1), :] = tbl_ref[pl.ds(di_ref[k], 1), :]
    return carry
  lax.fori_loop(0, TC_B, load_rows, 0)
  out_ref[...] = jnp.sum(arow[...] * brow[...], axis=1)


def _make_tc_edge_dot():
  return pl.pallas_call(
      _tc_body,
      grid=(TC_NBLK,),
      in_specs=[
          pl.BlockSpec((TC_B,), lambda i: (i,), memory_space=pltpu.SMEM),
          pl.BlockSpec((TC_B,), lambda i: (i,), memory_space=pltpu.SMEM),
          pl.BlockSpec((N_NODES, D_FEAT), lambda i: (0, 0)),
      ],
      out_specs=pl.BlockSpec((TC_B,), lambda i: (i,)),
      out_shape=jax.ShapeDtypeStruct((TC_E,), jnp.float32),
      scratch_shapes=[
          pltpu.VMEM((TC_B, D_FEAT), jnp.float32),
          pltpu.VMEM((TC_B, D_FEAT), jnp.float32),
      ],
  )


@functools.lru_cache(maxsize=1)
def _edge_dot_kernel():
  return _make_edge_dot()


@functools.lru_cache(maxsize=1)
def _tc_edge_dot_kernel():
  return _make_tc_edge_dot()


def kernel(node_embeddings, edge_index):
  ei = edge_index.astype(jnp.int32)
  packed = jax.lax.bitcast_convert_type(
      node_embeddings.astype(jnp.bfloat16).reshape(N_NODES, DW, 2), jnp.int32)
  out_sc = _edge_dot_kernel()(packed, ei[0, :E_SC], ei[1, :E_SC])
  out_tc = _tc_edge_dot_kernel()(ei[0, E_SC:], ei[1, E_SC:], node_embeddings)
  return jnp.concatenate([out_sc, out_tc])

# --- scband reference (transcript-rebuilt; emitter-appended) ---
"""Pipeline reference for scband-model-13709535609460 (READ-ONLY COPY).

The authoritative reference and input builder live on the scoring server;
editing this copy changes nothing except your own understanding.
"""

import jax, jax.numpy as jnp
import numpy as np

N_NODES = 10000
D_FEAT = 128
N_EDGES = 320000


def setup_inputs(seed: int = 0) -> dict:
    key = jax.random.key(seed)
    k1, k2 = jax.random.split(key)
    node_embeddings = jax.random.normal(k1, (N_NODES, D_FEAT), dtype=jnp.float32)
    edge_index = jax.random.randint(k2, (2, N_EDGES), 0, N_NODES, dtype=jnp.int32).astype(jnp.int64)
    return {"node_embeddings": node_embeddings, "edge_index": edge_index}


def reference(node_embeddings, edge_index):
    # Classifier.forward: gather endpoint embeddings, elementwise product, sum over feature dim
    edge_feat_node_1 = jnp.take(node_embeddings, edge_index[0], axis=0)
    edge_feat_node_2 = jnp.take(node_embeddings, edge_index[1], axis=0)
    cross_p = (edge_feat_node_1 * edge_feat_node_2).sum(axis=-1)
    return cross_p

if __name__ == "__main__":
    import jax
    _d = setup_inputs()
    print(jax.jit(kernel)(*tuple(_d.values())))

</pallas_src>

<mosaic_0001>
#map = affine_map<(d0, d1) -> (0, 0)>
#map1 = affine_map<(d0, d1) -> (0)>
module attributes {stable_mosaic.version = 14 : i64} {
  func.func @edge_dot(%arg0: i32, %arg1: i32, %arg2: memref<10000x64xi32, #tpu.memory_space<hbm>>, %arg3: memref<256512xi32, #tpu.memory_space<hbm>>, %arg4: memref<256512xi32, #tpu.memory_space<hbm>>, %arg5: memref<256512xf32, #tpu.memory_space<hbm>>, %arg6: memref<10000x64xi32, #tpu.memory_space<vmem_shared>>, %arg7: memref<8016xi32, #tpu.memory_space<vmem>>, %arg8: memref<8016xi32, #tpu.memory_space<vmem>>, %arg9: memref<16x64xi32, #tpu.memory_space<vmem>>, %arg10: memref<16x64xi32, #tpu.memory_space<vmem>>, %arg11: memref<16x64xi32, #tpu.memory_space<vmem>>, %arg12: memref<16x64xi32, #tpu.memory_space<vmem>>, %arg13: memref<16x64xi32, #tpu.memory_space<vmem>>, %arg14: memref<16x64xi32, #tpu.memory_space<vmem>>, %arg15: memref<16x64xi32, #tpu.memory_space<vmem>>, %arg16: memref<16x64xi32, #tpu.memory_space<vmem>>, %arg17: memref<16xf32, #tpu.memory_space<vmem>>, %arg18: memref<16xf32, #tpu.memory_space<vmem>>, %arg19: memref<16xf32, #tpu.memory_space<vmem>>, %arg20: memref<16xf32, #tpu.memory_space<vmem>>, %arg21: memref<!tpu.dma_semaphore, #tpu.memory_space<semaphore_mem>>, %arg22: memref<!tpu.dma_semaphore, #tpu.memory_space<semaphore_mem>>, %arg23: memref<!tpu.dma_semaphore, #tpu.memory_space<semaphore_mem>>, %arg24: memref<!tpu.dma_semaphore, #tpu.memory_space<semaphore_mem>>, %arg25: memref<!tpu.dma_semaphore, #tpu.memory_space<semaphore_mem>>, %arg26: memref<!tpu.dma_semaphore, #tpu.memory_space<semaphore_mem>>, %arg27: memref<!tpu.dma_semaphore, #tpu.memory_space<semaphore_mem>>, %arg28: memref<!tpu.dma_semaphore, #tpu.memory_space<semaphore_mem>>) attributes {dimension_semantics = [#tpu.dimension_semantics<core_parallel>, #tpu.dimension_semantics<subcore_parallel>], iteration_bounds = array<i64: 2, 16>, scalar_prefetch = 0 : i64, scratch_operands = 23 : i64, tpu.core_type = #tpu.core_type<sc_vector_subcore>, window_params = [{transform_indices = #map}, {transform_indices = #map1}, {transform_indices = #map1}, {transform_indices = #map1}]} {
    %mul3A = arith.constant 2 : i32
    %mul3A_0 = arith.muli %arg1, %mul3A : i32
    %add3A = arith.addi %mul3A_0, %arg0 : i32
    %mul3A_1 = arith.constant 8016 : i32
    %mul3A_2 = arith.muli %add3A, %mul3A_1 : i32
    %lt3A = arith.constant 10 : i32
    %lt3A_3 = arith.cmpi slt, %arg1, %lt3A : i32
    %convert_element_type3A = arith.extui %lt3A_3 : i1 to i32
    %cond3A = arith.constant 0 : i32
    %cond3A_4 = arith.cmpi ne, %convert_element_type3A, %cond3A : i32
    scf.if %cond3A_4 {
      %mul3A_93 = arith.constant 1000 : i32
      %mul3A_94 = arith.muli %arg1, %mul3A_93 : i32
      %mul3A_95 = arith.constant 1000 : i32
      %mul3A_96 = arith.muli %arg1, %mul3A_95 : i32
      "tpu.region"() ({
        %run_scoped3A = tpu.sem_alloc : memref<!tpu.dma_semaphore, #tpu.memory_space<semaphore_mem>>
        %dma_start3A_97 = arith.constant 0 : i32
        %dma_start3A_98 = tpu.memref_slice %arg6[%mul3A_96, %dma_start3A_97] : memref<10000x64xi32, #tpu.memory_space<vmem_shared>> -> memref<1000x64xi32, #tpu.memory_space<vmem_shared>>
        %dma_start3A_99 = arith.constant 0 : i32
        %dma_start3A_100 = tpu.memref_slice %arg2[%mul3A_94, %dma_start3A_99] : memref<10000x64xi32, #tpu.memory_space<hbm>> -> memref<1000x64xi32, #tpu.memory_space<hbm>>
        tpu.enqueue_dma source(%dma_start3A_100 : memref<1000x64xi32, #tpu.memory_space<hbm>>) target(%dma_start3A_98 : memref<1000x64xi32, #tpu.memory_space<vmem_shared>>) target_semaphore(%run_scoped3A : memref<!tpu.dma_semaphore, #tpu.memory_space<semaphore_mem>>)
        %dma_wait3A_101 = arith.constant 0 : i32
        %dma_wait3A_102 = tpu.memref_slice %arg6[%mul3A_96, %dma_wait3A_101] : memref<10000x64xi32, #tpu.memory_space<vmem_shared>> -> memref<1000x64xi32, #tpu.memory_space<vmem_shared>>
        %dma_wait3A_103 = arith.constant 0 : i32
        %dma_wait3A_104 = tpu.memref_slice %arg2[%mul3A_94, %dma_wait3A_103] : memref<10000x64xi32, #tpu.memory_space<hbm>> -> memref<1000x64xi32, #tpu.memory_space<hbm>>
        tpu.wait_dma2 semaphore(%run_scoped3A : memref<!tpu.dma_semaphore, #tpu.memory_space<semaphore_mem>>) src(%dma_wait3A_104 : memref<1000x64xi32, #tpu.memory_space<hbm>>) dst(%dma_wait3A_102 : memref<1000x64xi32, #tpu.memory_space<vmem_shared>>)
        tpu.yield
      }) : () -> ()
    } else {
    }
    "tpu.region"() ({
      %run_scoped3A = tpu.sem_alloc : memref<!tpu.dma_semaphore, #tpu.memory_space<semaphore_mem>>
      %dma_start3A_93 = tpu.memref_slice %arg3[%mul3A_2] : memref<256512xi32, #tpu.memory_space<hbm>> -> memref<8016xi32, #tpu.memory_space<hbm>>
      %dma_start3A_94 = tpu.memref_slice %arg3[%mul3A_2] : memref<256512xi32, #tpu.memory_space<hbm>> -> memref<8016xi32, #tpu.memory_space<hbm>>
      tpu.enqueue_dma source(%dma_start3A_94 : memref<8016xi32, #tpu.memory_space<hbm>>) target(%arg7 : memref<8016xi32, #tpu.memory_space<vmem>>) target_semaphore(%run_scoped3A : memref<!tpu.dma_semaphore, #tpu.memory_space<semaphore_mem>>)
      %dma_wait3A_95 = tpu.memref_slice %arg3[%mul3A_2] : memref<256512xi32, #tpu.memory_space<hbm>> -> memref<8016xi32, #tpu.memory_space<hbm>>
      %dma_wait3A_96 = tpu.memref_slice %arg3[%mul3A_2] : memref<256512xi32, #tpu.memory_space<hbm>> -> memref<8016xi32, #tpu.memory_space<hbm>>
      tpu.wait_dma2 semaphore(%run_scoped3A : memref<!tpu.dma_semaphore, #tpu.memory_space<semaphore_mem>>) src(%dma_wait3A_96 : memref<8016xi32, #tpu.memory_space<hbm>>) dst(%arg7 : memref<8016xi32, #tpu.memory_space<vmem>>)
      tpu.yield
    }) : () -> ()
    "tpu.region"() ({
      %run_scoped3A = tpu.sem_alloc : memref<!tpu.dma_semaphore, #tpu.memory_space<semaphore_mem>>
      %dma_start3A_93 = tpu.memref_slice %arg4[%mul3A_2] : memref<256512xi32, #tpu.memory_space<hbm>> -> memref<8016xi32, #tpu.memory_space<hbm>>
      %dma_start3A_94 = tpu.memref_slice %arg4[%mul3A_2] : memref<256512xi32, #tpu.memory_space<hbm>> -> memref<8016xi32, #tpu.memory_space<hbm>>
      tpu.enqueue_dma source(%dma_start3A_94 : memref<8016xi32, #tpu.memory_space<hbm>>) target(%arg8 : memref<8016xi32, #tpu.memory_space<vmem>>) target_semaphore(%run_scoped3A : memref<!tpu.dma_semaphore, #tpu.memory_space<semaphore_mem>>)
      %dma_wait3A_95 = tpu.memref_slice %arg4[%mul3A_2] : memref<256512xi32, #tpu.memory_space<hbm>> -> memref<8016xi32, #tpu.memory_space<hbm>>
      %dma_wait3A_96 = tpu.memref_slice %arg4[%mul3A_2] : memref<256512xi32, #tpu.memory_space<hbm>> -> memref<8016xi32, #tpu.memory_space<hbm>>
      tpu.wait_dma2 semaphore(%run_scoped3A : memref<!tpu.dma_semaphore, #tpu.memory_space<semaphore_mem>>) src(%dma_wait3A_96 : memref<8016xi32, #tpu.memory_space<hbm>>) dst(%arg8 : memref<8016xi32, #tpu.memory_space<vmem>>)
      tpu.yield
    }) : () -> ()
    %barrier3A = arith.constant 0 : index
    tpu.barrier barrier_id(%barrier3A)
    %iota3A = tpu.iota {dimensions = array<i32: 0>} : vector<16xi32>
    %add3A_5 = arith.constant 0 : i32
    %add3A_6 = vector.broadcast %add3A_5 : i32 to vector<16xi32>
    %add3A_7 = arith.addi %iota3A, %add3A_6 : vector<16xi32>
    %dma_start3A = arith.constant 0 : i32
    %dma_start3A_8 = tpu.memref_slice %arg7[%dma_start3A] : memref<8016xi32, #tpu.memory_space<vmem>> -> memref<16xi32, #tpu.memory_space<vmem>>
    %dma_start3A_9 = arith.constant 0 : i32
    %dma_start3A_10 = arith.constant 0 : i32
    %dma_start3A_11 = tpu.memref_slice %arg6[%dma_start3A_9, %dma_start3A_10] : memref<10000x64xi32, #tpu.memory_space<vmem_shared>> -> memref<10000x64xi32, #tpu.memory_space<vmem_shared>>
    tpu.enqueue_indirect_dma source(%dma_start3A_11 : memref<10000x64xi32, #tpu.memory_space<vmem_shared>>) target(%arg9 : memref<16x64xi32, #tpu.memory_space<vmem>>) offsets(%dma_start3A_8 : memref<16xi32, #tpu.memory_space<vmem>>) semaphore(%arg21 : memref<!tpu.dma_semaphore, #tpu.memory_space<semaphore_mem>>)
    %dma_start3A_12 = arith.constant 0 : i32
    %dma_start3A_13 = tpu.memref_slice %arg8[%dma_start3A_12] : memref<8016xi32, #tpu.memory_space<vmem>> -> memref<16xi32, #tpu.memory_space<vmem>>
    %dma_start3A_14 = arith.constant 0 : i32
    %dma_start3A_15 = arith.constant 0 : i32
    %dma_start3A_16 = tpu.memref_slice %arg6[%dma_start3A_14, %dma_start3A_15] : memref<10000x64xi32, #tpu.memory_space<vmem_shared>> -> memref<10000x64xi32, #tpu.memory_space<vmem_shared>>
    tpu.enqueue_indirect_dma source(%dma_start3A_16 : memref<10000x64xi32, #tpu.memory_space<vmem_shared>>) target(%arg13 : memref<16x64xi32, #tpu.memory_space<vmem>>) offsets(%dma_start3A_13 : memref<16xi32, #tpu.memory_space<vmem>>) semaphore(%arg21 : memref<!tpu.dma_semaphore, #tpu.memory_space<semaphore_mem>>)
    %dma_start3A_17 = arith.constant 16 : i32
    %dma_start3A_18 = tpu.memref_slice %arg7[%dma_start3A_17] : memref<8016xi32, #tpu.memory_space<vmem>> -> memref<16xi32, #tpu.memory_space<vmem>>
    %dma_start3A_19 = arith.constant 0 : i32
    %dma_start3A_20 = arith.constant 0 : i32
    %dma_start3A_21 = tpu.memref_slice %arg6[%dma_start3A_19, %dma_start3A_20] : memref<10000x64xi32, #tpu.memory_space<vmem_shared>> -> memref<10000x64xi32, #tpu.memory_space<vmem_shared>>
    tpu.enqueue_indirect_dma source(%dma_start3A_21 : memref<10000x64xi32, #tpu.memory_space<vmem_shared>>) target(%arg10 : memref<16x64xi32, #tpu.memory_space<vmem>>) offsets(%dma_start3A_18 : memref<16xi32, #tpu.memory_space<vmem>>) semaphore(%arg22 : memref<!tpu.dma_semaphore, #tpu.memory_space<semaphore_mem>>)
    %dma_start3A_22 = arith.constant 16 : i32
    %dma_start3A_23 = tpu.memref_slice %arg8[%dma_start3A_22] : memref<8016xi32, #tpu.memory_space<vmem>> -> memref<16xi32, #tpu.memory_space<vmem>>
    %dma_start3A_24 = arith.constant 0 : i32
    %dma_start3A_25 = arith.constant 0 : i32
    %dma_start3A_26 = tpu.memref_slice %arg6[%dma_start3A_24, %dma_start3A_25] : memref<10000x64xi32, #tpu.memory_space<vmem_shared>> -> memref<10000x64xi32, #tpu.memory_space<vmem_shared>>
    tpu.enqueue_indirect_dma source(%dma_start3A_26 : memref<10000x64xi32, #tpu.memory_space<vmem_shared>>) target(%arg14 : memref<16x64xi32, #tpu.memory_space<vmem>>) offsets(%dma_start3A_23 : memref<16xi32, #tpu.memory_space<vmem>>) semaphore(%arg22 : memref<!tpu.dma_semaphore, #tpu.memory_space<semaphore_mem>>)
    %dma_start3A_27 = arith.constant 32 : i32
    %dma_start3A_28 = tpu.memref_slice %arg7[%dma_start3A_27] : memref<8016xi32, #tpu.memory_space<vmem>> -> memref<16xi32, #tpu.memory_space<vmem>>
    %dma_start3A_29 = arith.constant 0 : i32
    %dma_start3A_30 = arith.constant 0 : i32
    %dma_start3A_31 = tpu.memref_slice %arg6[%dma_start3A_29, %dma_start3A_30] : memref<10000x64xi32, #tpu.memory_space<vmem_shared>> -> memref<10000x64xi32, #tpu.memory_space<vmem_shared>>
    tpu.enqueue_indirect_dma source(%dma_start3A_31 : memref<10000x64xi32, #tpu.memory_space<vmem_shared>>) target(%arg11 : memref<16x64xi32, #tpu.memory_space<vmem>>) offsets(%dma_start3A_28 : memref<16xi32, #tpu.memory_space<vmem>>) semaphore(%arg23 : memref<!tpu.dma_semaphore, #tpu.memory_space<semaphore_mem>>)
    %dma_start3A_32 = arith.constant 32 : i32
    %dma_start3A_33 = tpu.memref_slice %arg8[%dma_start3A_32] : memref<8016xi32, #tpu.memory_space<vmem>> -> memref<16xi32, #tpu.memory_space<vmem>>
    %dma_start3A_34 = arith.constant 0 : i32
    %dma_start3A_35 = arith.constant 0 : i32
    %dma_start3A_36 = tpu.memref_slice %arg6[%dma_start3A_34, %dma_start3A_35] : memref<10000x64xi32, #tpu.memory_space<vmem_shared>> -> memref<10000x64xi32, #tpu.memory_space<vmem_shared>>
    tpu.enqueue_indirect_dma source(%dma_start3A_36 : memref<10000x64xi32, #tpu.memory_space<vmem_shared>>) target(%arg15 : memref<16x64xi32, #tpu.memory_space<vmem>>) offsets(%dma_start3A_33 : memref<16xi32, #tpu.memory_space<vmem>>) semaphore(%arg23 : memref<!tpu.dma_semaphore, #tpu.memory_space<semaphore_mem>>)
    %dma_start3A_37 = arith.constant 48 : i32
    %dma_start3A_38 = tpu.memref_slice %arg7[%dma_start3A_37] : memref<8016xi32, #tpu.memory_space<vmem>> -> memref<16xi32, #tpu.memory_space<vmem>>
    %dma_start3A_39 = arith.constant 0 : i32
    %dma_start3A_40 = arith.constant 0 : i32
    %dma_start3A_41 = tpu.memref_slice %arg6[%dma_start3A_39, %dma_start3A_40] : memref<10000x64xi32, #tpu.memory_space<vmem_shared>> -> memref<10000x64xi32, #tpu.memory_space<vmem_shared>>
    tpu.enqueue_indirect_dma source(%dma_start3A_41 : memref<10000x64xi32, #tpu.memory_space<vmem_shared>>) target(%arg12 : memref<16x64xi32, #tpu.memory_space<vmem>>) offsets(%dma_start3A_38 : memref<16xi32, #tpu.memory_space<vmem>>) semaphore(%arg24 : memref<!tpu.dma_semaphore, #tpu.memory_space<semaphore_mem>>)
    %dma_start3A_42 = arith.constant 48 : i32
    %dma_start3A_43 = tpu.memref_slice %arg8[%dma_start3A_42] : memref<8016xi32, #tpu.memory_space<vmem>> -> memref<16xi32, #tpu.memory_space<vmem>>
    %dma_start3A_44 = arith.constant 0 : i32
    %dma_start3A_45 = arith.constant 0 : i32
    %dma_start3A_46 = tpu.memref_slice %arg6[%dma_start3A_44, %dma_start3A_45] : memref<10000x64xi32, #tpu.memory_space<vmem_shared>> -> memref<10000x64xi32, #tpu.memory_space<vmem_shared>>
    tpu.enqueue_indirect_dma source(%dma_start3A_46 : memref<10000x64xi32, #tpu.memory_space<vmem_shared>>) target(%arg16 : memref<16x64xi32, #tpu.memory_space<vmem>>) offsets(%dma_start3A_43 : memref<16xi32, #tpu.memory_space<vmem>>) semaphore(%arg24 : memref<!tpu.dma_semaphore, #tpu.memory_space<semaphore_mem>>)
    %scan3A = arith.constant 0 : i32
    %scan3A_47 = arith.constant 0 : i32
    %scan3A_48 = arith.constant 125 : i32
    %scan3A_49 = arith.addi %scan3A_47, %scan3A_48 : i32
    %scan3A_50 = arith.constant 1 : i32
    scf.for %scan3A_93 = %scan3A_47 to %scan3A_49 step %scan3A_50  : i32 {
      %mul3A_94 = arith.constant 4 : i32
      %mul3A_95 = arith.muli %mul3A_94, %scan3A_93 : i32
      %add3A_96 = arith.constant 0 : i32
      %add3A_97 = arith.addi %mul3A_95, %add3A_96 : i32
      %mul3A_98 = arith.constant 16 : i32
      %mul3A_99 = arith.muli %add3A_97, %mul3A_98 : i32
      %dma_wait3A_100 = tpu.memref_slice %arg7[%mul3A_99] : memref<8016xi32, #tpu.memory_space<vmem>> -> memref<16xi32, #tpu.memory_space<vmem>>
      %dma_wait3A_101 = arith.constant 0 : i32
      %dma_wait3A_102 = arith.constant 0 : i32
      %dma_wait3A_103 = tpu.memref_slice %arg6[%dma_wait3A_101, %dma_wait3A_102] : memref<10000x64xi32, #tpu.memory_space<vmem_shared>> -> memref<10000x64xi32, #tpu.memory_space<vmem_shared>>
      tpu.wait_indirect_dma semaphore(%arg21 : memref<!tpu.dma_semaphore, #tpu.memory_space<semaphore_mem>>) src(%dma_wait3A_103 : memref<10000x64xi32, #tpu.memory_space<vmem_shared>>) dst(%arg9 : memref<16x64xi32, #tpu.memory_space<vmem>>)
      %dma_wait3A_104 = tpu.memref_slice %arg8[%mul3A_99] : memref<8016xi32, #tpu.memory_space<vmem>> -> memref<16xi32, #tpu.memory_space<vmem>>
      %dma_wait3A_105 = arith.constant 0 : i32
      %dma_wait3A_106 = arith.constant 0 : i32
      %dma_wait3A_107 = tpu.memref_slice %arg6[%dma_wait3A_105, %dma_wait3A_106] : memref<10000x64xi32, #tpu.memory_space<vmem_shared>> -> memref<10000x64xi32, #tpu.memory_space<vmem_shared>>
      tpu.wait_indirect_dma semaphore(%arg21 : memref<!tpu.dma_semaphore, #tpu.memory_space<semaphore_mem>>) src(%dma_wait3A_107 : memref<10000x64xi32, #tpu.memory_space<vmem_shared>>) dst(%arg13 : memref<16x64xi32, #tpu.memory_space<vmem>>)
      %broadcast_in_dim3A_108 = arith.constant 0.000000e+00 : f32
      %broadcast_in_dim3A_109 = vector.broadcast %broadcast_in_dim3A_108 : f32 to vector<16xf32>
      %scan3A_110 = arith.constant 0 : i32
      %scan3A_111 = arith.constant 64 : i32
      %scan3A_112 = arith.addi %scan3A_110, %scan3A_111 : i32
      %scan3A_113 = arith.constant 8 : i32
      %scan3A_114 = scf.for %scan3A_251 = %scan3A_110 to %scan3A_112 step %scan3A_113 iter_args(%scan3A_252 = %broadcast_in_dim3A_109) -> (vector<16xf32>)  : i32 {
        %broadcast_in_dim3A_253 = vector.broadcast %scan3A_251 : i32 to vector<16xi32>
        %gather3A = tpu.vector_load_idx %arg9[%add3A_7, %broadcast_in_dim3A_253] : memref<16x64xi32, #tpu.memory_space<vmem>>[vector<16xi32>, vector<16xi32>], vector<16xi32>,
        %gather3A_254 = tpu.vector_load_idx %arg13[%add3A_7, %broadcast_in_dim3A_253] : memref<16x64xi32, #tpu.memory_space<vmem>>[vector<16xi32>, vector<16xi32>], vector<16xi32>,
        %bitcast3A = vector.bitcast %gather3A : vector<16xi32> to vector<32xbf16>
        %bitcast3A_255 = vector.bitcast %gather3A_254 : vector<16xi32> to vector<32xbf16>
        %mul3A_256 = arith.mulf %bitcast3A, %bitcast3A_255 : vector<32xbf16>
        %unpack3A = tpu.unpack_subelements %mul3A_256, 0 {pack_format = #tpu.pack_format<interleaved>} : vector<32xbf16> -> vector<16xf32>
        %unpack3A_257 = tpu.unpack_subelements %mul3A_256, 1 {pack_format = #tpu.pack_format<interleaved>} : vector<32xbf16> -> vector<16xf32>
        %add3A_258 = arith.addf %scan3A_252, %unpack3A : vector<16xf32>
        %add3A_259 = arith.addf %add3A_258, %unpack3A_257 : vector<16xf32>
        %scan3A_260 = arith.constant 1 : i32
        %scan3A_261 = arith.addi %scan3A_251, %scan3A_260 : i32
        %broadcast_in_dim3A_262 = vector.broadcast %scan3A_261 : i32 to vector<16xi32>
        %gather3A_263 = tpu.vector_load_idx %arg9[%add3A_7, %broadcast_in_dim3A_262] : memref<16x64xi32, #tpu.memory_space<vmem>>[vector<16xi32>, vector<16xi32>], vector<16xi32>,
        %gather3A_264 = tpu.vector_load_idx %arg13[%add3A_7, %broadcast_in_dim3A_262] : memref<16x64xi32, #tpu.memory_space<vmem>>[vector<16xi32>, vector<16xi32>], vector<16xi32>,
        %bitcast3A_265 = vector.bitcast %gather3A_263 : vector<16xi32> to vector<32xbf16>
        %bitcast3A_266 = vector.bitcast %gather3A_264 : vector<16xi32> to vector<32xbf16>
        %mul3A_267 = arith.mulf %bitcast3A_265, %bitcast3A_266 : vector<32xbf16>
        %unpack3A_268 = tpu.unpack_subelements %mul3A_267, 0 {pack_format = #tpu.pack_format<interleaved>} : vector<32xbf16> -> vector<16xf32>
        %unpack3A_269 = tpu.unpack_subelements %mul3A_267, 1 {pack_format = #tpu.pack_format<interleaved>} : vector<32xbf16> -> vector<16xf32>
        %add3A_270 = arith.addf %add3A_259, %unpack3A_268 : vector<16xf32>
        %add3A_271 = arith.addf %add3A_270, %unpack3A_269 : vector<16xf32>
        %scan3A_272 = arith.constant 2 : i32
        %scan3A_273 = arith.addi %scan3A_251, %scan3A_272 : i32
        %broadcast_in_dim3A_274 = vector.broadcast %scan3A_273 : i32 to vector<16xi32>
        %gather3A_275 = tpu.vector_load_idx %arg9[%add3A_7, %broadcast_in_dim3A_274] : memref<16x64xi32, #tpu.memory_space<vmem>>[vector<16xi32>, vector<16xi32>], vector<16xi32>,
        %gather3A_276 = tpu.vector_load_idx %arg13[%add3A_7, %broadcast_in_dim3A_274] : memref<16x64xi32, #tpu.memory_space<vmem>>[vector<16xi32>, vector<16xi32>], vector<16xi32>,
        %bitcast3A_277 = vector.bitcast %gather3A_275 : vector<16xi32> to vector<32xbf16>
        %bitcast3A_278 = vector.bitcast %gather3A_276 : vector<16xi32> to vector<32xbf16>
        %mul3A_279 = arith.mulf %bitcast3A_277, %bitcast3A_278 : vector<32xbf16>
        %unpack3A_280 = tpu.unpack_subelements %mul3A_279, 0 {pack_format = #tpu.pack_format<interleaved>} : vector<32xbf16> -> vector<16xf32>
        %unpack3A_281 = tpu.unpack_subelements %mul3A_279, 1 {pack_format = #tpu.pack_format<interleaved>} : vector<32xbf16> -> vector<16xf32>
        %add3A_282 = arith.addf %add3A_271, %unpack3A_280 : vector<16xf32>
        %add3A_283 = arith.addf %add3A_282, %unpack3A_281 : vector<16xf32>
        %scan3A_284 = arith.constant 3 : i32
        %scan3A_285 = arith.addi %scan3A_251, %scan3A_284 : i32
        %broadcast_in_dim3A_286 = vector.broadcast %scan3A_285 : i32 to vector<16xi32>
        %gather3A_287 = tpu.vector_load_idx %arg9[%add3A_7, %broadcast_in_dim3A_286] : memref<16x64xi32, #tpu.memory_space<vmem>>[vector<16xi32>, vector<16xi32>], vector<16xi32>,
        %gather3A_288 = tpu.vector_load_idx %arg13[%add3A_7, %broadcast_in_dim3A_286] : memref<16x64xi32, #tpu.memory_space<vmem>>[vector<16xi32>, vector<16xi32>], vector<16xi32>,
        %bitcast3A_289 = vector.bitcast %gather3A_287 : vector<16xi32> to vector<32xbf16>
        %bitcast3A_290 = vector.bitcast %gather3A_288 : vector<16xi32> to vector<32xbf16>
        %mul3A_291 = arith.mulf %bitcast3A_289, %bitcast3A_290 : vector<32xbf16>
        %unpack3A_292 = tpu.unpack_subelements %mul3A_291, 0 {pack_format = #tpu.pack_format<interleaved>} : vector<32xbf16> -> vector<16xf32>
        %unpack3A_293 = tpu.unpack_subelements %mul3A_291, 1 {pack_format = #tpu.pack_format<interleaved>} : vector<32xbf16> -> vector<16xf32>
        %add3A_294 = arith.addf %add3A_283, %unpack3A_292 : vector<16xf32>
        %add3A_295 = arith.addf %add3A_294, %unpack3A_293 : vector<16xf32>
        %scan3A_296 = arith.constant 4 : i32
        %scan3A_297 = arith.addi %scan3A_251, %scan3A_296 : i32
        %broadcast_in_dim3A_298 = vector.broadcast %scan3A_297 : i32 to vector<16xi32>
        %gather3A_299 = tpu.vector_load_idx %arg9[%add3A_7, %broadcast_in_dim3A_298] : memref<16x64xi32, #tpu.memory_space<vmem>>[vector<16xi32>, vector<16xi32>], vector<16xi32>,
        %gather3A_300 = tpu.vector_load_idx %arg13[%add3A_7, %broadcast_in_dim3A_298] : memref<16x64xi32, #tpu.memory_space<vmem>>[vector<16xi32>, vector<16xi32>], vector<16xi32>,
        %bitcast3A_301 = vector.bitcast %gather3A_299 : vector<16xi32> to vector<32xbf16>
        %bitcast3A_302 = vector.bitcast %gather3A_300 : vector<16xi32> to vector<32xbf16>
        %mul3A_303 = arith.mulf %bitcast3A_301, %bitcast3A_302 : vector<32xbf16>
        %unpack3A_304 = tpu.unpack_subelements %mul3A_303, 0 {pack_format = #tpu.pack_format<interleaved>} : vector<32xbf16> -> vector<16xf32>
        %unpack3A_305 = tpu.unpack_subelements %mul3A_303, 1 {pack_format = #tpu.pack_format<interleaved>} : vector<32xbf16> -> vector<16xf32>
        %add3A_306 = arith.addf %add3A_295, %unpack3A_304 : vector<16xf32>
        %add3A_307 = arith.addf %add3A_306, %unpack3A_305 : vector<16xf32>
        %scan3A_308 = arith.constant 5 : i32
        %scan3A_309 = arith.addi %scan3A_251, %scan3A_308 : i32
        %broadcast_in_dim3A_310 = vector.broadcast %scan3A_309 : i32 to vector<16xi32>
        %gather3A_311 = tpu.vector_load_idx %arg9[%add3A_7, %broadcast_in_dim3A_310] : memref<16x64xi32, #tpu.memory_space<vmem>>[vector<16xi32>, vector<16xi32>], vector<16xi32>,
        %gather3A_312 = tpu.vector_load_idx %arg13[%add3A_7, %broadcast_in_dim3A_310] : memref<16x64xi32, #tpu.memory_space<vmem>>[vector<16xi32>, vector<16xi32>], vector<16xi32>,
        %bitcast3A_313 = vector.bitcast %gather3A_311 : vector<16xi32> to vector<32xbf16>
        %bitcast3A_314 = vector.bitcast %gather3A_312 : vector<16xi32> to vector<32xbf16>
        %mul3A_315 = arith.mulf %bitcast3A_313, %bitcast3A_314 : vector<32xbf16>
        %unpack3A_316 = tpu.unpack_subelements %mul3A_315, 0 {pack_format = #tpu.pack_format<interleaved>} : vector<32xbf16> -> vector<16xf32>
        %unpack3A_317 = tpu.unpack_subelements %mul3A_315, 1 {pack_format = #tpu.pack_format<interleaved>} : vector<32xbf16> -> vector<16xf32>
        %add3A_318 = arith.addf %add3A_307, %unpack3A_316 : vector<16xf32>
        %add3A_319 = arith.addf %add3A_318, %unpack3A_317 : vector<16xf32>
        %scan3A_320 = arith.constant 6 : i32
        %scan3A_321 = arith.addi %scan3A_251, %scan3A_320 : i32
        %broadcast_in_dim3A_322 = vector.broadcast %scan3A_321 : i32 to vector<16xi32>
        %gather3A_323 = tpu.vector_load_idx %arg9[%add3A_7, %broadcast_in_dim3A_322] : memref<16x64xi32, #tpu.memory_space<vmem>>[vector<16xi32>, vector<16xi32>], vector<16xi32>,
        %gather3A_324 = tpu.vector_load_idx %arg13[%add3A_7, %broadcast_in_dim3A_322] : memref<16x64xi32, #tpu.memory_space<vmem>>[vector<16xi32>, vector<16xi32>], vector<16xi32>,
        %bitcast3A_325 = vector.bitcast %gather3A_323 : vector<16xi32> to vector<32xbf16>
        %bitcast3A_326 = vector.bitcast %gather3A_324 : vector<16xi32> to vector<32xbf16>
        %mul3A_327 = arith.mulf %bitcast3A_325, %bitcast3A_326 : vector<32xbf16>
        %unpack3A_328 = tpu.unpack_subelements %mul3A_327, 0 {pack_format = #tpu.pack_format<interleaved>} : vector<32xbf16> -> vector<16xf32>
        %unpack3A_329 = tpu.unpack_subelements %mul3A_327, 1 {pack_format = #tpu.pack_format<interleaved>} : vector<32xbf16> -> vector<16xf32>
        %add3A_330 = arith.addf %add3A_319, %unpack3A_328 : vector<16xf32>
        %add3A_331 = arith.addf %add3A_330, %unpack3A_329 : vector<16xf32>
        %scan3A_332 = arith.constant 7 : i32
        %scan3A_333 = arith.addi %scan3A_251, %scan3A_332 : i32
        %broadcast_in_dim3A_334 = vector.broadcast %scan3A_333 : i32 to vector<16xi32>
        %gather3A_335 = tpu.vector_load_idx %arg9[%add3A_7, %broadcast_in_dim3A_334] : memref<16x64xi32, #tpu.memory_space<vmem>>[vector<16xi32>, vector<16xi32>], vector<16xi32>,
        %gather3A_336 = tpu.vector_load_idx %arg13[%add3A_7, %broadcast_in_dim3A_334] : memref<16x64xi32, #tpu.memory_space<vmem>>[vector<16xi32>, vector<16xi32>], vector<16xi32>,
        %bitcast3A_337 = vector.bitcast %gather3A_335 : vector<16xi32> to vector<32xbf16>
        %bitcast3A_338 = vector.bitcast %gather3A_336 : vector<16xi32> to vector<32xbf16>
        %mul3A_339 = arith.mulf %bitcast3A_337, %bitcast3A_338 : vector<32xbf16>
        %unpack3A_340 = tpu.unpack_subelements %mul3A_339, 0 {pack_format = #tpu.pack_format<interleaved>} : vector<32xbf16> -> vector<16xf32>
        %unpack3A_341 = tpu.unpack_subelements %mul3A_339, 1 {pack_format = #tpu.pack_format<interleaved>} : vector<32xbf16> -> vector<16xf32>
        %add3A_342 = arith.addf %add3A_331, %unpack3A_340 : vector<16xf32>
        %add3A_343 = arith.addf %add3A_342, %unpack3A_341 : vector<16xf32>
        scf.yield %add3A_343 : vector<16xf32>
      }
      %scan3A_115 = arith.constant 64 : i32
      %ge3A = arith.constant 4 : i32
      %ge3A_116 = arith.cmpi sge, %add3A_97, %ge3A : i32
      %convert_element_type3A_117 = arith.extui %ge3A_116 : i1 to i32
      %cond3A_118 = arith.constant 0 : i32
      %cond3A_119 = arith.cmpi ne, %convert_element_type3A_117, %cond3A_118 : i32
      scf.if %cond3A_119 {
        %sub3A = arith.constant 4 : i32
        %sub3A_251 = arith.subi %add3A_97, %sub3A : i32
        %mul3A_252 = arith.constant 16 : i32
        %mul3A_253 = arith.muli %sub3A_251, %mul3A_252 : i32
        %add3A_254 = arith.addi %mul3A_2, %mul3A_253 : i32
        %dma_wait3A_255 = tpu.memref_slice %arg5[%add3A_254] : memref<256512xf32, #tpu.memory_space<hbm>> -> memref<16xf32, #tpu.memory_space<hbm>>
        %dma_wait3A_256 = tpu.memref_slice %arg5[%add3A_254] : memref<256512xf32, #tpu.memory_space<hbm>> -> memref<16xf32, #tpu.memory_space<hbm>>
        tpu.wait_dma2 semaphore(%arg25 : memref<!tpu.dma_semaphore, #tpu.memory_space<semaphore_mem>>) src(%arg17 : memref<16xf32, #tpu.memory_space<vmem>>) dst(%dma_wait3A_256 : memref<16xf32, #tpu.memory_space<hbm>>)
      } else {
      }
      %swap3A_120 = arith.constant 0 : index
      %swap3A_121 = tpu.vector_load %arg17[%swap3A_120] {strides = array<i32>} : memref<16xf32, #tpu.memory_space<vmem>>, vector<16xf32>,
      tpu.vector_store %arg17[%swap3A_120], %scan3A_114 {strides = array<i32>} : memref<16xf32, #tpu.memory_space<vmem>>, vector<16xf32>,
      %mul3A_122 = arith.constant 16 : i32
      %mul3A_123 = arith.muli %add3A_97, %mul3A_122 : i32
      %add3A_124 = arith.addi %mul3A_2, %mul3A_123 : i32
      %dma_start3A_125 = tpu.memref_slice %arg5[%add3A_124] : memref<256512xf32, #tpu.memory_space<hbm>> -> memref<16xf32, #tpu.memory_space<hbm>>
      %dma_start3A_126 = tpu.memref_slice %arg5[%add3A_124] : memref<256512xf32, #tpu.memory_space<hbm>> -> memref<16xf32, #tpu.memory_space<hbm>>
      tpu.enqueue_dma source(%arg17 : memref<16xf32, #tpu.memory_space<vmem>>) target(%dma_start3A_126 : memref<16xf32, #tpu.memory_space<hbm>>) target_semaphore(%arg25 : memref<!tpu.dma_semaphore, #tpu.memory_space<semaphore_mem>>)
      %add3A_127 = arith.constant 4 : i32
      %add3A_128 = arith.addi %add3A_97, %add3A_127 : i32
      %lt3A_129 = arith.constant 501 : i32
      %lt3A_130 = arith.cmpi slt, %add3A_128, %lt3A_129 : i32
      %convert_element_type3A_131 = arith.extui %lt3A_130 : i1 to i32
      %cond3A_132 = arith.constant 0 : i32
      %cond3A_133 = arith.cmpi ne, %convert_element_type3A_131, %cond3A_132 : i32
      scf.if %cond3A_133 {
        %mul3A_251 = arith.constant 16 : i32
        %mul3A_252 = arith.muli %add3A_128, %mul3A_251 : i32
        %dma_start3A_253 = tpu.memref_slice %arg7[%mul3A_252] : memref<8016xi32, #tpu.memory_space<vmem>> -> memref<16xi32, #tpu.memory_space<vmem>>
        %dma_start3A_254 = arith.constant 0 : i32
        %dma_start3A_255 = arith.constant 0 : i32
        %dma_start3A_256 = tpu.memref_slice %arg6[%dma_start3A_254, %dma_start3A_255] : memref<10000x64xi32, #tpu.memory_space<vmem_shared>> -> memref<10000x64xi32, #tpu.memory_space<vmem_shared>>
        tpu.enqueue_indirect_dma source(%dma_start3A_256 : memref<10000x64xi32, #tpu.memory_space<vmem_shared>>) target(%arg9 : memref<16x64xi32, #tpu.memory_space<vmem>>) offsets(%dma_start3A_253 : memref<16xi32, #tpu.memory_space<vmem>>) semaphore(%arg21 : memref<!tpu.dma_semaphore, #tpu.memory_space<semaphore_mem>>)
        %dma_start3A_257 = tpu.memref_slice %arg8[%mul3A_252] : memref<8016xi32, #tpu.memory_space<vmem>> -> memref<16xi32, #tpu.memory_space<vmem>>
        %dma_start3A_258 = arith.constant 0 : i32
        %dma_start3A_259 = arith.constant 0 : i32
        %dma_start3A_260 = tpu.memref_slice %arg6[%dma_start3A_258, %dma_start3A_259] : memref<10000x64xi32, #tpu.memory_space<vmem_shared>> -> memref<10000x64xi32, #tpu.memory_space<vmem_shared>>
        tpu.enqueue_indirect_dma source(%dma_start3A_260 : memref<10000x64xi32, #tpu.memory_space<vmem_shared>>) target(%arg13 : memref<16x64xi32, #tpu.memory_space<vmem>>) offsets(%dma_start3A_257 : memref<16xi32, #tpu.memory_space<vmem>>) semaphore(%arg21 : memref<!tpu.dma_semaphore, #tpu.memory_space<semaphore_mem>>)
      } else {
      }
      %add3A_134 = arith.constant 1 : i32
      %add3A_135 = arith.addi %mul3A_95, %add3A_134 : i32
      %mul3A_136 = arith.constant 16 : i32
      %mul3A_137 = arith.muli %add3A_135, %mul3A_136 : i32
      %dma_wait3A_138 = tpu.memref_slice %arg7[%mul3A_137] : memref<8016xi32, #tpu.memory_space<vmem>> -> memref<16xi32, #tpu.memory_space<vmem>>
      %dma_wait3A_139 = arith.constant 0 : i32
      %dma_wait3A_140 = arith.constant 0 : i32
      %dma_wait3A_141 = tpu.memref_slice %arg6[%dma_wait3A_139, %dma_wait3A_140] : memref<10000x64xi32, #tpu.memory_space<vmem_shared>> -> memref<10000x64xi32, #tpu.memory_space<vmem_shared>>
      tpu.wait_indirect_dma semaphore(%arg22 : memref<!tpu.dma_semaphore, #tpu.memory_space<semaphore_mem>>) src(%dma_wait3A_141 : memref<10000x64xi32, #tpu.memory_space<vmem_shared>>) dst(%arg10 : memref<16x64xi32, #tpu.memory_space<vmem>>)
      %dma_wait3A_142 = tpu.memref_slice %arg8[%mul3A_137] : memref<8016xi32, #tpu.memory_space<vmem>> -> memref<16xi32, #tpu.memory_space<vmem>>
      %dma_wait3A_143 = arith.constant 0 : i32
      %dma_wait3A_144 = arith.constant 0 : i32
      %dma_wait3A_145 = tpu.memref_slice %arg6[%dma_wait3A_143, %dma_wait3A_144] : memref<10000x64xi32, #tpu.memory_space<vmem_shared>> -> memref<10000x64xi32, #tpu.memory_space<vmem_shared>>
      tpu.wait_indirect_dma semaphore(%arg22 : memref<!tpu.dma_semaphore, #tpu.memory_space<semaphore_mem>>) src(%dma_wait3A_145 : memref<10000x64xi32, #tpu.memory_space<vmem_shared>>) dst(%arg14 : memref<16x64xi32, #tpu.memory_space<vmem>>)
      %broadcast_in_dim3A_146 = arith.constant 0.000000e+00 : f32
      %broadcast_in_dim3A_147 = vector.broadcast %broadcast_in_dim3A_146 : f32 to vector<16xf32>
      %scan3A_148 = arith.constant 0 : i32
      %scan3A_149 = arith.constant 64 : i32
      %scan3A_150 = arith.addi %scan3A_148, %scan3A_149 : i32
      %scan3A_151 = arith.constant 8 : i32
      %scan3A_152 = scf.for %scan3A_251 = %scan3A_148 to %scan3A_150 step %scan3A_151 iter_args(%scan3A_252 = %broadcast_in_dim3A_147) -> (vector<16xf32>)  : i32 {
        %broadcast_in_dim3A_253 = vector.broadcast %scan3A_251 : i32 to vector<16xi32>
        %gather3A = tpu.vector_load_idx %arg10[%add3A_7, %broadcast_in_dim3A_253] : memref<16x64xi32, #tpu.memory_space<vmem>>[vector<16xi32>, vector<16xi32>], vector<16xi32>,
        %gather3A_254 = tpu.vector_load_idx %arg14[%add3A_7, %broadcast_in_dim3A_253] : memref<16x64xi32, #tpu.memory_space<vmem>>[vector<16xi32>, vector<16xi32>], vector<16xi32>,
        %bitcast3A = vector.bitcast %gather3A : vector<16xi32> to vector<32xbf16>
        %bitcast3A_255 = vector.bitcast %gather3A_254 : vector<16xi32> to vector<32xbf16>
        %mul3A_256 = arith.mulf %bitcast3A, %bitcast3A_255 : vector<32xbf16>
        %unpack3A = tpu.unpack_subelements %mul3A_256, 0 {pack_format = #tpu.pack_format<interleaved>} : vector<32xbf16> -> vector<16xf32>
        %unpack3A_257 = tpu.unpack_subelements %mul3A_256, 1 {pack_format = #tpu.pack_format<interleaved>} : vector<32xbf16> -> vector<16xf32>
        %add3A_258 = arith.addf %scan3A_252, %unpack3A : vector<16xf32>
        %add3A_259 = arith.addf %add3A_258, %unpack3A_257 : vector<16xf32>
        %scan3A_260 = arith.constant 1 : i32
        %scan3A_261 = arith.addi %scan3A_251, %scan3A_260 : i32
        %broadcast_in_dim3A_262 = vector.broadcast %scan3A_261 : i32 to vector<16xi32>
        %gather3A_263 = tpu.vector_load_idx %arg10[%add3A_7, %broadcast_in_dim3A_262] : memref<16x64xi32, #tpu.memory_space<vmem>>[vector<16xi32>, vector<16xi32>], vector<16xi32>,
        %gather3A_264 = tpu.vector_load_idx %arg14[%add3A_7, %broadcast_in_dim3A_262] : memref<16x64xi32, #tpu.memory_space<vmem>>[vector<16xi32>, vector<16xi32>], vector<16xi32>,
        %bitcast3A_265 = vector.bitcast %gather3A_263 : vector<16xi32> to vector<32xbf16>
        %bitcast3A_266 = vector.bitcast %gather3A_264 : vector<16xi32> to vector<32xbf16>
        %mul3A_267 = arith.mulf %bitcast3A_265, %bitcast3A_266 : vector<32xbf16>
        %unpack3A_268 = tpu.unpack_subelements %mul3A_267, 0 {pack_format = #tpu.pack_format<interleaved>} : vector<32xbf16> -> vector<16xf32>
        %unpack3A_269 = tpu.unpack_subelements %mul3A_267, 1 {pack_format = #tpu.pack_format<interleaved>} : vector<32xbf16> -> vector<16xf32>
        %add3A_270 = arith.addf %add3A_259, %unpack3A_268 : vector<16xf32>
        %add3A_271 = arith.addf %add3A_270, %unpack3A_269 : vector<16xf32>
        %scan3A_272 = arith.constant 2 : i32
        %scan3A_273 = arith.addi %scan3A_251, %scan3A_272 : i32
        %broadcast_in_dim3A_274 = vector.broadcast %scan3A_273 : i32 to vector<16xi32>
        %gather3A_275 = tpu.vector_load_idx %arg10[%add3A_7, %broadcast_in_dim3A_274] : memref<16x64xi32, #tpu.memory_space<vmem>>[vector<16xi32>, vector<16xi32>], vector<16xi32>,
        %gather3A_276 = tpu.vector_load_idx %arg14[%add3A_7, %broadcast_in_dim3A_274] : memref<16x64xi32, #tpu.memory_space<vmem>>[vector<16xi32>, vector<16xi32>], vector<16xi32>,
        %bitcast3A_277 = vector.bitcast %gather3A_275 : vector<16xi32> to vector<32xbf16>
        %bitcast3A_278 = vector.bitcast %gather3A_276 : vector<16xi32> to vector<32xbf16>
        %mul3A_279 = arith.mulf %bitcast3A_277, %bitcast3A_278 : vector<32xbf16>
        %unpack3A_280 = tpu.unpack_subelements %mul3A_279, 0 {pack_format = #tpu.pack_format<interleaved>} : vector<32xbf16> -> vector<16xf32>
        %unpack3A_281 = tpu.unpack_subelements %mul3A_279, 1 {pack_format = #tpu.pack_format<interleaved>} : vector<32xbf16> -> vector<16xf32>
        %add3A_282 = arith.addf %add3A_271, %unpack3A_280 : vector<16xf32>
        %add3A_283 = arith.addf %add3A_282, %unpack3A_281 : vector<16xf32>
        %scan3A_284 = arith.constant 3 : i32
        %scan3A_285 = arith.addi %scan3A_251, %scan3A_284 : i32
        %broadcast_in_dim3A_286 = vector.broadcast %scan3A_285 : i32 to vector<16xi32>
        %gather3A_287 = tpu.vector_load_idx %arg10[%add3A_7, %broadcast_in_dim3A_286] : memref<16x64xi32, #tpu.memory_space<vmem>>[vector<16xi32>, vector<16xi32>], vector<16xi32>,
        %gather3A_288 = tpu.vector_load_idx %arg14[%add3A_7, %broadcast_in_dim3A_286] : memref<16x64xi32, #tpu.memory_space<vmem>>[vector<16xi32>, vector<16xi32>], vector<16xi32>,
        %bitcast3A_289 = vector.bitcast %gather3A_287 : vector<16xi32> to vector<32xbf16>
        %bitcast3A_290 = vector.bitcast %gather3A_288 : vector<16xi32> to vector<32xbf16>
        %mul3A_291 = arith.mulf %bitcast3A_289, %bitcast3A_290 : vector<32xbf16>
        %unpack3A_292 = tpu.unpack_subelements %mul3A_291, 0 {pack_format = #tpu.pack_format<interleaved>} : vector<32xbf16> -> vector<16xf32>
        %unpack3A_293 = tpu.unpack_subelements %mul3A_291, 1 {pack_format = #tpu.pack_format<interleaved>} : vector<32xbf16> -> vector<16xf32>
        %add3A_294 = arith.addf %add3A_283, %unpack3A_292 : vector<16xf32>
        %add3A_295 = arith.addf %add3A_294, %unpack3A_293 : vector<16xf32>
        %scan3A_296 = arith.constant 4 : i32
        %scan3A_297 = arith.addi %scan3A_251, %scan3A_296 : i32
        %broadcast_in_dim3A_298 = vector.broadcast %scan3A_297 : i32 to vector<16xi32>
        %gather3A_299 = tpu.vector_load_idx %arg10[%add3A_7, %broadcast_in_dim3A_298] : memref<16x64xi32, #tpu.memory_space<vmem>>[vector<16xi32>, vector<16xi32>], vector<16xi32>,
        %gather3A_300 = tpu.vector_load_idx %arg14[%add3A_7, %broadcast_in_dim3A_298] : memref<16x64xi32, #tpu.memory_space<vmem>>[vector<16xi32>, vector<16xi32>], vector<16xi32>,
        %bitcast3A_301 = vector.bitcast %gather3A_299 : vector<16xi32> to vector<32xbf16>
        %bitcast3A_302 = vector.bitcast %gather3A_300 : vector<16xi32> to vector<32xbf16>
        %mul3A_303 = arith.mulf %bitcast3A_301, %bitcast3A_302 : vector<32xbf16>
        %unpack3A_304 = tpu.unpack_subelements %mul3A_303, 0 {pack_format = #tpu.pack_format<interleaved>} : vector<32xbf16> -> vector<16xf32>
        %unpack3A_305 = tpu.unpack_subelements %mul3A_303, 1 {pack_format = #tpu.pack_format<interleaved>} : vector<32xbf16> -> vector<16xf32>
        %add3A_306 = arith.addf %add3A_295, %unpack3A_304 : vector<16xf32>
        %add3A_307 = arith.addf %add3A_306, %unpack3A_305 : vector<16xf32>
        %scan3A_308 = arith.constant 5 : i32
        %scan3A_309 = arith.addi %scan3A_251, %scan3A_308 : i32
        %broadcast_in_dim3A_310 = vector.broadcast %scan3A_309 : i32 to vector<16xi32>
        %gather3A_311 = tpu.vector_load_idx %arg10[%add3A_7, %broadcast_in_dim3A_310] : memref<16x64xi32, #tpu.memory_space<vmem>>[vector<16xi32>, vector<16xi32>], vector<16xi32>,
        %gather3A_312 = tpu.vector_load_idx %arg14[%add3A_7, %broadcast_in_dim3A_310] : memref<16x64xi32, #tpu.memory_space<vmem>>[vector<16xi32>, vector<16xi32>], vector<16xi32>,
        %bitcast3A_313 = vector.bitcast %gather3A_311 : vector<16xi32> to vector<32xbf16>
        %bitcast3A_314 = vector.bitcast %gather3A_312 : vector<16xi32> to vector<32xbf16>
        %mul3A_315 = arith.mulf %bitcast3A_313, %bitcast3A_314 : vector<32xbf16>
        %unpack3A_316 = tpu.unpack_subelements %mul3A_315, 0 {pack_format = #tpu.pack_format<interleaved>} : vector<32xbf16> -> vector<16xf32>
        %unpack3A_317 = tpu.unpack_subelements %mul3A_315, 1 {pack_format = #tpu.pack_format<interleaved>} : vector<32xbf16> -> vector<16xf32>
        %add3A_318 = arith.addf %add3A_307, %unpack3A_316 : vector<16xf32>
        %add3A_319 = arith.addf %add3A_318, %unpack3A_317 : vector<16xf32>
        %scan3A_320 = arith.constant 6 : i32
        %scan3A_321 = arith.addi %scan3A_251, %scan3A_320 : i32
        %broadcast_in_dim3A_322 = vector.broadcast %scan3A_321 : i32 to vector<16xi32>
        %gather3A_323 = tpu.vector_load_idx %arg10[%add3A_7, %broadcast_in_dim3A_322] : memref<16x64xi32, #tpu.memory_space<vmem>>[vector<16xi32>, vector<16xi32>], vector<16xi32>,
        %gather3A_324 = tpu.vector_load_idx %arg14[%add3A_7, %broadcast_in_dim3A_322] : memref<16x64xi32, #tpu.memory_space<vmem>>[vector<16xi32>, vector<16xi32>], vector<16xi32>,
        %bitcast3A_325 = vector.bitcast %gather3A_323 : vector<16xi32> to vector<32xbf16>
        %bitcast3A_326 = vector.bitcast %gather3A_324 : vector<16xi32> to vector<32xbf16>
        %mul3A_327 = arith.mulf %bitcast3A_325, %bitcast3A_326 : vector<32xbf16>
        %unpack3A_328 = tpu.unpack_subelements %mul3A_327, 0 {pack_format = #tpu.pack_format<interleaved>} : vector<32xbf16> -> vector<16xf32>
        %unpack3A_329 = tpu.unpack_subelements %mul3A_327, 1 {pack_format = #tpu.pack_format<interleaved>} : vector<32xbf16> -> vector<16xf32>
        %add3A_330 = arith.addf %add3A_319, %unpack3A_328 : vector<16xf32>
        %add3A_331 = arith.addf %add3A_330, %unpack3A_329 : vector<16xf32>
        %scan3A_332 = arith.constant 7 : i32
        %scan3A_333 = arith.addi %scan3A_251, %scan3A_332 : i32
        %broadcast_in_dim3A_334 = vector.broadcast %scan3A_333 : i32 to vector<16xi32>
        %gather3A_335 = tpu.vector_load_idx %arg10[%add3A_7, %broadcast_in_dim3A_334] : memref<16x64xi32, #tpu.memory_space<vmem>>[vector<16xi32>, vector<16xi32>], vector<16xi32>,
        %gather3A_336 = tpu.vector_load_idx %arg14[%add3A_7, %broadcast_in_dim3A_334] : memref<16x64xi32, #tpu.memory_space<vmem>>[vector<16xi32>, vector<16xi32>], vector<16xi32>,
        %bitcast3A_337 = vector.bitcast %gather3A_335 : vector<16xi32> to vector<32xbf16>
        %bitcast3A_338 = vector.bitcast %gather3A_336 : vector<16xi32> to vector<32xbf16>
        %mul3A_339 = arith.mulf %bitcast3A_337, %bitcast3A_338 : vector<32xbf16>
        %unpack3A_340 = tpu.unpack_subelements %mul3A_339, 0 {pack_format = #tpu.pack_format<interleaved>} : vector<32xbf16> -> vector<16xf32>
        %unpack3A_341 = tpu.unpack_subelements %mul3A_339, 1 {pack_format = #tpu.pack_format<interleaved>} : vector<32xbf16> -> vector<16xf32>
        %add3A_342 = arith.addf %add3A_331, %unpack3A_340 : vector<16xf32>
        %add3A_343 = arith.addf %add3A_342, %unpack3A_341 : vector<16xf32>
        scf.yield %add3A_343 : vector<16xf32>
      }
      %scan3A_153 = arith.constant 64 : i32
      %ge3A_154 = arith.constant 4 : i32
      %ge3A_155 = arith.cmpi sge, %add3A_135, %ge3A_154 : i32
      %convert_element_type3A_156 = arith.extui %ge3A_155 : i1 to i32
      %cond3A_157 = arith.constant 0 : i32
      %cond3A_158 = arith.cmpi ne, %convert_element_type3A_156, %cond3A_157 : i32
      scf.if %cond3A_158 {
        %sub3A = arith.constant 4 : i32
        %sub3A_251 = arith.subi %add3A_135, %sub3A : i32
        %mul3A_252 = arith.constant 16 : i32
        %mul3A_253 = arith.muli %sub3A_251, %mul3A_252 : i32
        %add3A_254 = arith.addi %mul3A_2, %mul3A_253 : i32
        %dma_wait3A_255 = tpu.memref_slice %arg5[%add3A_254] : memref<256512xf32, #tpu.memory_space<hbm>> -> memref<16xf32, #tpu.memory_space<hbm>>
        %dma_wait3A_256 = tpu.memref_slice %arg5[%add3A_254] : memref<256512xf32, #tpu.memory_space<hbm>> -> memref<16xf32, #tpu.memory_space<hbm>>
        tpu.wait_dma2 semaphore(%arg26 : memref<!tpu.dma_semaphore, #tpu.memory_space<semaphore_mem>>) src(%arg18 : memref<16xf32, #tpu.memory_space<vmem>>) dst(%dma_wait3A_256 : memref<16xf32, #tpu.memory_space<hbm>>)
      } else {
      }
      %swap3A_159 = arith.constant 0 : index
      %swap3A_160 = tpu.vector_load %arg18[%swap3A_159] {strides = array<i32>} : memref<16xf32, #tpu.memory_space<vmem>>, vector<16xf32>,
      tpu.vector_store %arg18[%swap3A_159], %scan3A_152 {strides = array<i32>} : memref<16xf32, #tpu.memory_space<vmem>>, vector<16xf32>,
      %mul3A_161 = arith.constant 16 : i32
      %mul3A_162 = arith.muli %add3A_135, %mul3A_161 : i32
      %add3A_163 = arith.addi %mul3A_2, %mul3A_162 : i32
      %dma_start3A_164 = tpu.memref_slice %arg5[%add3A_163] : memref<256512xf32, #tpu.memory_space<hbm>> -> memref<16xf32, #tpu.memory_space<hbm>>
      %dma_start3A_165 = tpu.memref_slice %arg5[%add3A_163] : memref<256512xf32, #tpu.memory_space<hbm>> -> memref<16xf32, #tpu.memory_space<hbm>>
      tpu.enqueue_dma source(%arg18 : memref<16xf32, #tpu.memory_space<vmem>>) target(%dma_start3A_165 : memref<16xf32, #tpu.memory_space<hbm>>) target_semaphore(%arg26 : memref<!tpu.dma_semaphore, #tpu.memory_space<semaphore_mem>>)
      %add3A_166 = arith.constant 4 : i32
      %add3A_167 = arith.addi %add3A_135, %add3A_166 : i32
      %lt3A_168 = arith.constant 501 : i32
      %lt3A_169 = arith.cmpi slt, %add3A_167, %lt3A_168 : i32
      %convert_element_type3A_170 = arith.extui %lt3A_169 : i1 to i32
      %cond3A_171 = arith.constant 0 : i32
      %cond3A_172 = arith.cmpi ne, %convert_element_type3A_170, %cond3A_171 : i32
      scf.if %cond3A_172 {
        %mul3A_251 = arith.constant 16 : i32
        %mul3A_252 = arith.muli %add3A_167, %mul3A_251 : i32
        %dma_start3A_253 = tpu.memref_slice %arg7[%mul3A_252] : memref<8016xi32, #tpu.memory_space<vmem>> -> memref<16xi32, #tpu.memory_space<vmem>>
        %dma_start3A_254 = arith.constant 0 : i32
        %dma_start3A_255 = arith.constant 0 : i32
        %dma_start3A_256 = tpu.memref_slice %arg6[%dma_start3A_254, %dma_start3A_255] : memref<10000x64xi32, #tpu.memory_space<vmem_shared>> -> memref<10000x64xi32, #tpu.memory_space<vmem_shared>>
        tpu.enqueue_indirect_dma source(%dma_start3A_256 : memref<10000x64xi32, #tpu.memory_space<vmem_shared>>) target(%arg10 : memref<16x64xi32, #tpu.memory_space<vmem>>) offsets(%dma_start3A_253 : memref<16xi32, #tpu.memory_space<vmem>>) semaphore(%arg22 : memref<!tpu.dma_semaphore, #tpu.memory_space<semaphore_mem>>)
        %dma_start3A_257 = tpu.memref_slice %arg8[%mul3A_252] : memref<8016xi32, #tpu.memory_space<vmem>> -> memref<16xi32, #tpu.memory_space<vmem>>
        %dma_start3A_258 = arith.constant 0 : i32
        %dma_start3A_259 = arith.constant 0 : i32
        %dma_start3A_260 = tpu.memref_slice %arg6[%dma_start3A_258, %dma_start3A_259] : memref<10000x64xi32, #tpu.memory_space<vmem_shared>> -> memref<10000x64xi32, #tpu.memory_space<vmem_shared>>
        tpu.enqueue_indirect_dma source(%dma_start3A_260 : memref<10000x64xi32, #tpu.memory_space<vmem_shared>>) target(%arg14 : memref<16x64xi32, #tpu.memory_space<vmem>>) offsets(%dma_start3A_257 : memref<16xi32, #tpu.memory_space<vmem>>) semaphore(%arg22 : memref<!tpu.dma_semaphore, #tpu.memory_space<semaphore_mem>>)
      } else {
      }
      %add3A_173 = arith.constant 2 : i32
      %add3A_174 = arith.addi %mul3A_95, %add3A_173 : i32
      %mul3A_175 = arith.constant 16 : i32
      %mul3A_176 = arith.muli %add3A_174, %mul3A_175 : i32
      %dma_wait3A_177 = tpu.memref_slice %arg7[%mul3A_176] : memref<8016xi32, #tpu.memory_space<vmem>> -> memref<16xi32, #tpu.memory_space<vmem>>
      %dma_wait3A_178 = arith.constant 0 : i32
      %dma_wait3A_179 = arith.constant 0 : i32
      %dma_wait3A_180 = tpu.memref_slice %arg6[%dma_wait3A_178, %dma_wait3A_179] : memref<10000x64xi32, #tpu.memory_space<vmem_shared>> -> memref<10000x64xi32, #tpu.memory_space<vmem_shared>>
      tpu.wait_indirect_dma semaphore(%arg23 : memref<!tpu.dma_semaphore, #tpu.memory_space<semaphore_mem>>) src(%dma_wait3A_180 : memref<10000x64xi32, #tpu.memory_space<vmem_shared>>) dst(%arg11 : memref<16x64xi32, #tpu.memory_space<vmem>>)
      %dma_wait3A_181 = tpu.memref_slice %arg8[%mul3A_176] : memref<8016xi32, #tpu.memory_space<vmem>> -> memref<16xi32, #tpu.memory_space<vmem>>
      %dma_wait3A_182 = arith.constant 0 : i32
      %dma_wait3A_183 = arith.constant 0 : i32
      %dma_wait3A_184 = tpu.memref_slice %arg6[%dma_wait3A_182, %dma_wait3A_183] : memref<10000x64xi32, #tpu.memory_space<vmem_shared>> -> memref<10000x64xi32, #tpu.memory_space<vmem_shared>>
      tpu.wait_indirect_dma semaphore(%arg23 : memref<!tpu.dma_semaphore, #tpu.memory_space<semaphore_mem>>) src(%dma_wait3A_184 : memref<10000x64xi32, #tpu.memory_space<vmem_shared>>) dst(%arg15 : memref<16x64xi32, #tpu.memory_space<vmem>>)
      %broadcast_in_dim3A_185 = arith.constant 0.000000e+00 : f32
      %broadcast_in_dim3A_186 = vector.broadcast %broadcast_in_dim3A_185 : f32 to vector<16xf32>
      %scan3A_187 = arith.constant 0 : i32
      %scan3A_188 = arith.constant 64 : i32
      %scan3A_189 = arith.addi %scan3A_187, %scan3A_188 : i32
      %scan3A_190 = arith.constant 8 : i32
      %scan3A_191 = scf.for %scan3A_251 = %scan3A_187 to %scan3A_189 step %scan3A_190 iter_args(%scan3A_252 = %broadcast_in_dim3A_186) -> (vector<16xf32>)  : i32 {
        %broadcast_in_dim3A_253 = vector.broadcast %scan3A_251 : i32 to vector<16xi32>
        %gather3A = tpu.vector_load_idx %arg11[%add3A_7, %broadcast_in_dim3A_253] : memref<16x64xi32, #tpu.memory_space<vmem>>[vector<16xi32>, vector<16xi32>], vector<16xi32>,
        %gather3A_254 = tpu.vector_load_idx %arg15[%add3A_7, %broadcast_in_dim3A_253] : memref<16x64xi32, #tpu.memory_space<vmem>>[vector<16xi32>, vector<16xi32>], vector<16xi32>,
        %bitcast3A = vector.bitcast %gather3A : vector<16xi32> to vector<32xbf16>
        %bitcast3A_255 = vector.bitcast %gather3A_254 : vector<16xi32> to vector<32xbf16>
        %mul3A_256 = arith.mulf %bitcast3A, %bitcast3A_255 : vector<32xbf16>
        %unpack3A = tpu.unpack_subelements %mul3A_256, 0 {pack_format = #tpu.pack_format<interleaved>} : vector<32xbf16> -> vector<16xf32>
        %unpack3A_257 = tpu.unpack_subelements %mul3A_256, 1 {pack_format = #tpu.pack_format<interleaved>} : vector<32xbf16> -> vector<16xf32>
        %add3A_258 = arith.addf %scan3A_252, %unpack3A : vector<16xf32>
        %add3A_259 = arith.addf %add3A_258, %unpack3A_257 : vector<16xf32>
        %scan3A_260 = arith.constant 1 : i32
        %scan3A_261 = arith.addi %scan3A_251, %scan3A_260 : i32
        %broadcast_in_dim3A_262 = vector.broadcast %scan3A_261 : i32 to vector<16xi32>
        %gather3A_263 = tpu.vector_load_idx %arg11[%add3A_7, %broadcast_in_dim3A_262] : memref<16x64xi32, #tpu.memory_space<vmem>>[vector<16xi32>, vector<16xi32>], vector<16xi32>,
        %gather3A_264 = tpu.vector_load_idx %arg15[%add3A_7, %broadcast_in_dim3A_262] : memref<16x64xi32, #tpu.memory_space<vmem>>[vector<16xi32>, vector<16xi32>], vector<16xi32>,
        %bitcast3A_265 = vector.bitcast %gather3A_263 : vector<16xi32> to vector<32xbf16>
        %bitcast3A_266 = vector.bitcast %gather3A_264 : vector<16xi32> to vector<32xbf16>
        %mul3A_267 = arith.mulf %bitcast3A_265, %bitcast3A_266 : vector<32xbf16>
        %unpack3A_268 = tpu.unpack_subelements %mul3A_267, 0 {pack_format = #tpu.pack_format<interleaved>} : vector<32xbf16> -> vector<16xf32>
        %unpack3A_269 = tpu.unpack_subelements %mul3A_267, 1 {pack_format = #tpu.pack_format<interleaved>} : vector<32xbf16> -> vector<16xf32>
        %add3A_270 = arith.addf %add3A_259, %unpack3A_268 : vector<16xf32>
        %add3A_271 = arith.addf %add3A_270, %unpack3A_269 : vector<16xf32>
        %scan3A_272 = arith.constant 2 : i32
        %scan3A_273 = arith.addi %scan3A_251, %scan3A_272 : i32
        %broadcast_in_dim3A_274 = vector.broadcast %scan3A_273 : i32 to vector<16xi32>
        %gather3A_275 = tpu.vector_load_idx %arg11[%add3A_7, %broadcast_in_dim3A_274] : memref<16x64xi32, #tpu.memory_space<vmem>>[vector<16xi32>, vector<16xi32>], vector<16xi32>,
        %gather3A_276 = tpu.vector_load_idx %arg15[%add3A_7, %broadcast_in_dim3A_274] : memref<16x64xi32, #tpu.memory_space<vmem>>[vector<16xi32>, vector<16xi32>], vector<16xi32>,
        %bitcast3A_277 = vector.bitcast %gather3A_275 : vector<16xi32> to vector<32xbf16>
        %bitcast3A_278 = vector.bitcast %gather3A_276 : vector<16xi32> to vector<32xbf16>
        %mul3A_279 = arith.mulf %bitcast3A_277, %bitcast3A_278 : vector<32xbf16>
        %unpack3A_280 = tpu.unpack_subelements %mul3A_279, 0 {pack_format = #tpu.pack_format<interleaved>} : vector<32xbf16> -> vector<16xf32>
        %unpack3A_281 = tpu.unpack_subelements %mul3A_279, 1 {pack_format = #tpu.pack_format<interleaved>} : vector<32xbf16> -> vector<16xf32>
        %add3A_282 = arith.addf %add3A_271, %unpack3A_280 : vector<16xf32>
        %add3A_283 = arith.addf %add3A_282, %unpack3A_281 : vector<16xf32>
        %scan3A_284 = arith.constant 3 : i32
        %scan3A_285 = arith.addi %scan3A_251, %scan3A_284 : i32
        %broadcast_in_dim3A_286 = vector.broadcast %scan3A_285 : i32 to vector<16xi32>
        %gather3A_287 = tpu.vector_load_idx %arg11[%add3A_7, %broadcast_in_dim3A_286] : memref<16x64xi32, #tpu.memory_space<vmem>>[vector<16xi32>, vector<16xi32>], vector<16xi32>,
        %gather3A_288 = tpu.vector_load_idx %arg15[%add3A_7, %broadcast_in_dim3A_286] : memref<16x64xi32, #tpu.memory_space<vmem>>[vector<16xi32>, vector<16xi32>], vector<16xi32>,
        %bitcast3A_289 = vector.bitcast %gather3A_287 : vector<16xi32> to vector<32xbf16>
        %bitcast3A_290 = vector.bitcast %gather3A_288 : vector<16xi32> to vector<32xbf16>
        %mul3A_291 = arith.mulf %bitcast3A_289, %bitcast3A_290 : vector<32xbf16>
        %unpack3A_292 = tpu.unpack_subelements %mul3A_291, 0 {pack_format = #tpu.pack_format<interleaved>} : vector<32xbf16> -> vector<16xf32>
        %unpack3A_293 = tpu.unpack_subelements %mul3A_291, 1 {pack_format = #tpu.pack_format<interleaved>} : vector<32xbf16> -> vector<16xf32>
        %add3A_294 = arith.addf %add3A_283, %unpack3A_292 : vector<16xf32>
        %add3A_295 = arith.addf %add3A_294, %unpack3A_293 : vector<16xf32>
        %scan3A_296 = arith.constant 4 : i32
        %scan3A_297 = arith.addi %scan3A_251, %scan3A_296 : i32
        %broadcast_in_dim3A_298 = vector.broadcast %scan3A_297 : i32 to vector<16xi32>
        %gather3A_299 = tpu.vector_load_idx %arg11[%add3A_7, %broadcast_in_dim3A_298] : memref<16x64xi32, #tpu.memory_space<vmem>>[vector<16xi32>, vector<16xi32>], vector<16xi32>,
        %gather3A_300 = tpu.vector_load_idx %arg15[%add3A_7, %broadcast_in_dim3A_298] : memref<16x64xi32, #tpu.memory_space<vmem>>[vector<16xi32>, vector<16xi32>], vector<16xi32>,
        %bitcast3A_301 = vector.bitcast %gather3A_299 : vector<16xi32> to vector<32xbf16>
        %bitcast3A_302 = vector.bitcast %gather3A_300 : vector<16xi32> to vector<32xbf16>
        %mul3A_303 = arith.mulf %bitcast3A_301, %bitcast3A_302 : vector<32xbf16>
        %unpack3A_304 = tpu.unpack_subelements %mul3A_303, 0 {pack_format = #tpu.pack_format<interleaved>} : vector<32xbf16> -> vector<16xf32>
        %unpack3A_305 = tpu.unpack_subelements %mul3A_303, 1 {pack_format = #tpu.pack_format<interleaved>} : vector<32xbf16> -> vector<16xf32>
        %add3A_306 = arith.addf %add3A_295, %unpack3A_304 : vector<16xf32>
        %add3A_307 = arith.addf %add3A_306, %unpack3A_305 : vector<16xf32>
        %scan3A_308 = arith.constant 5 : i32
        %scan3A_309 = arith.addi %scan3A_251, %scan3A_308 : i32
        %broadcast_in_dim3A_310 = vector.broadcast %scan3A_309 : i32 to vector<16xi32>
        %gather3A_311 = tpu.vector_load_idx %arg11[%add3A_7, %broadcast_in_dim3A_310] : memref<16x64xi32, #tpu.memory_space<vmem>>[vector<16xi32>, vector<16xi32>], vector<16xi32>,
        %gather3A_312 = tpu.vector_load_idx %arg15[%add3A_7, %broadcast_in_dim3A_310] : memref<16x64xi32, #tpu.memory_space<vmem>>[vector<16xi32>, vector<16xi32>], vector<16xi32>,
        %bitcast3A_313 = vector.bitcast %gather3A_311 : vector<16xi32> to vector<32xbf16>
        %bitcast3A_314 = vector.bitcast %gather3A_312 : vector<16xi32> to vector<32xbf16>
        %mul3A_315 = arith.mulf %bitcast3A_313, %bitcast3A_314 : vector<32xbf16>
        %unpack3A_316 = tpu.unpack_subelements %mul3A_315, 0 {pack_format = #tpu.pack_format<interleaved>} : vector<32xbf16> -> vector<16xf32>
        %unpack3A_317 = tpu.unpack_subelements %mul3A_315, 1 {pack_format = #tpu.pack_format<interleaved>} : vector<32xbf16> -> vector<16xf32>
        %add3A_318 = arith.addf %add3A_307, %unpack3A_316 : vector<16xf32>
        %add3A_319 = arith.addf %add3A_318, %unpack3A_317 : vector<16xf32>
        %scan3A_320 = arith.constant 6 : i32
        %scan3A_321 = arith.addi %scan3A_251, %scan3A_320 : i32
        %broadcast_in_dim3A_322 = vector.broadcast %scan3A_321 : i32 to vector<16xi32>
        %gather3A_323 = tpu.vector_load_idx %arg11[%add3A_7, %broadcast_in_dim3A_322] : memref<16x64xi32, #tpu.memory_space<vmem>>[vector<16xi32>, vector<16xi32>], vector<16xi32>,
        %gather3A_324 = tpu.vector_load_idx %arg15[%add3A_7, %broadcast_in_dim3A_322] : memref<16x64xi32, #tpu.memory_space<vmem>>[vector<16xi32>, vector<16xi32>], vector<16xi32>,
        %bitcast3A_325 = vector.bitcast %gather3A_323 : vector<16xi32> to vector<32xbf16>
        %bitcast3A_326 = vector.bitcast %gather3A_324 : vector<16xi32> to vector<32xbf16>
        %mul3A_327 = arith.mulf %bitcast3A_325, %bitcast3A_326 : vector<32xbf16>
        %unpack3A_328 = tpu.unpack_subelements %mul3A_327, 0 {pack_format = #tpu.pack_format<interleaved>} : vector<32xbf16> -> vector<16xf32>
        %unpack3A_329 = tpu.unpack_subelements %mul3A_327, 1 {pack_format = #tpu.pack_format<interleaved>} : vector<32xbf16> -> vector<16xf32>
        %add3A_330 = arith.addf %add3A_319, %unpack3A_328 : vector<16xf32>
        %add3A_331 = arith.addf %add3A_330, %unpack3A_329 : vector<16xf32>
        %scan3A_332 = arith.constant 7 : i32
        %scan3A_333 = arith.addi %scan3A_251, %scan3A_332 : i32
        %broadcast_in_dim3A_334 = vector.broadcast %scan3A_333 : i32 to vector<16xi32>
        %gather3A_335 = tpu.vector_load_idx %arg11[%add3A_7, %broadcast_in_dim3A_334] : memref<16x64xi32, #tpu.memory_space<vmem>>[vector<16xi32>, vector<16xi32>], vector<16xi32>,
        %gather3A_336 = tpu.vector_load_idx %arg15[%add3A_7, %broadcast_in_dim3A_334] : memref<16x64xi32, #tpu.memory_space<vmem>>[vector<16xi32>, vector<16xi32>], vector<16xi32>,
        %bitcast3A_337 = vector.bitcast %gather3A_335 : vector<16xi32> to vector<32xbf16>
        %bitcast3A_338 = vector.bitcast %gather3A_336 : vector<16xi32> to vector<32xbf16>
        %mul3A_339 = arith.mulf %bitcast3A_337, %bitcast3A_338 : vector<32xbf16>
        %unpack3A_340 = tpu.unpack_subelements %mul3A_339, 0 {pack_format = #tpu.pack_format<interleaved>} : vector<32xbf16> -> vector<16xf32>
        %unpack3A_341 = tpu.unpack_subelements %mul3A_339, 1 {pack_format = #tpu.pack_format<interleaved>} : vector<32xbf16> -> vector<16xf32>
        %add3A_342 = arith.addf %add3A_331, %unpack3A_340 : vector<16xf32>
        %add3A_343 = arith.addf %add3A_342, %unpack3A_341 : vector<16xf32>
        scf.yield %add3A_343 : vector<16xf32>
      }
      %scan3A_192 = arith.constant 64 : i32
      %ge3A_193 = arith.constant 4 : i32
      %ge3A_194 = arith.cmpi sge, %add3A_174, %ge3A_193 : i32
      %convert_element_type3A_195 = arith.extui %ge3A_194 : i1 to i32
      %cond3A_196 = arith.constant 0 : i32
      %cond3A_197 = arith.cmpi ne, %convert_element_type3A_195, %cond3A_196 : i32
      scf.if %cond3A_197 {
        %sub3A = arith.constant 4 : i32
        %sub3A_251 = arith.subi %add3A_174, %sub3A : i32
        %mul3A_252 = arith.constant 16 : i32
        %mul3A_253 = arith.muli %sub3A_251, %mul3A_252 : i32
        %add3A_254 = arith.addi %mul3A_2, %mul3A_253 : i32
        %dma_wait3A_255 = tpu.memref_slice %arg5[%add3A_254] : memref<256512xf32, #tpu.memory_space<hbm>> -> memref<16xf32, #tpu.memory_space<hbm>>
        %dma_wait3A_256 = tpu.memref_slice %arg5[%add3A_254] : memref<256512xf32, #tpu.memory_space<hbm>> -> memref<16xf32, #tpu.memory_space<hbm>>
        tpu.wait_dma2 semaphore(%arg27 : memref<!tpu.dma_semaphore, #tpu.memory_space<semaphore_mem>>) src(%arg19 : memref<16xf32, #tpu.memory_space<vmem>>) dst(%dma_wait3A_256 : memref<16xf32, #tpu.memory_space<hbm>>)
      } else {
      }
      %swap3A_198 = arith.constant 0 : index
      %swap3A_199 = tpu.vector_load %arg19[%swap3A_198] {strides = array<i32>} : memref<16xf32, #tpu.memory_space<vmem>>, vector<16xf32>,
      tpu.vector_store %arg19[%swap3A_198], %scan3A_191 {strides = array<i32>} : memref<16xf32, #tpu.memory_space<vmem>>, vector<16xf32>,
      %mul3A_200 = arith.constant 16 : i32
      %mul3A_201 = arith.muli %add3A_174, %mul3A_200 : i32
      %add3A_202 = arith.addi %mul3A_2, %mul3A_201 : i32
      %dma_start3A_203 = tpu.memref_slice %arg5[%add3A_202] : memref<256512xf32, #tpu.memory_space<hbm>> -> memref<16xf32, #tpu.memory_space<hbm>>
      %dma_start3A_204 = tpu.memref_slice %arg5[%add3A_202] : memref<256512xf32, #tpu.memory_space<hbm>> -> memref<16xf32, #tpu.memory_space<hbm>>
      tpu.enqueue_dma source(%arg19 : memref<16xf32, #tpu.memory_space<vmem>>) target(%dma_start3A_204 : memref<16xf32, #tpu.memory_space<hbm>>) target_semaphore(%arg27 : memref<!tpu.dma_semaphore, #tpu.memory_space<semaphore_mem>>)
      %add3A_205 = arith.constant 4 : i32
      %add3A_206 = arith.addi %add3A_174, %add3A_205 : i32
      %lt3A_207 = arith.constant 501 : i32
      %lt3A_208 = arith.cmpi slt, %add3A_206, %lt3A_207 : i32
      %convert_element_type3A_209 = arith.extui %lt3A_208 : i1 to i32
      %cond3A_210 = arith.constant 0 : i32
      %cond3A_211 = arith.cmpi ne, %convert_element_type3A_209, %cond3A_210 : i32
      scf.if %cond3A_211 {
        %mul3A_251 = arith.constant 16 : i32
        %mul3A_252 = arith.muli %add3A_206, %mul3A_251 : i32
        %dma_start3A_253 = tpu.memref_slice %arg7[%mul3A_252] : memref<8016xi32, #tpu.memory_space<vmem>> -> memref<16xi32, #tpu.memory_space<vmem>>
        %dma_start3A_254 = arith.constant 0 : i32
        %dma_start3A_255 = arith.constant 0 : i32
        %dma_start3A_256 = tpu.memref_slice %arg6[%dma_start3A_254, %dma_start3A_255] : memref<10000x64xi32, #tpu.memory_space<vmem_shared>> -> memref<10000x64xi32, #tpu.memory_space<vmem_shared>>
        tpu.enqueue_indirect_dma source(%dma_start3A_256 : memref<10000x64xi32, #tpu.memory_space<vmem_shared>>) target(%arg11 : memref<16x64xi32, #tpu.memory_space<vmem>>) offsets(%dma_start3A_253 : memref<16xi32, #tpu.memory_space<vmem>>) semaphore(%arg23 : memref<!tpu.dma_semaphore, #tpu.memory_space<semaphore_mem>>)
        %dma_start3A_257 = tpu.memref_slice %arg8[%mul3A_252] : memref<8016xi32, #tpu.memory_space<vmem>> -> memref<16xi32, #tpu.memory_space<vmem>>
        %dma_start3A_258 = arith.constant 0 : i32
        %dma_start3A_259 = arith.constant 0 : i32
        %dma_start3A_260 = tpu.memref_slice %arg6[%dma_start3A_258, %dma_start3A_259] : memref<10000x64xi32, #tpu.memory_space<vmem_shared>> -> memref<10000x64xi32, #tpu.memory_space<vmem_shared>>
        tpu.enqueue_indirect_dma source(%dma_start3A_260 : memref<10000x64xi32, #tpu.memory_space<vmem_shared>>) target(%arg15 : memref<16x64xi32, #tpu.memory_space<vmem>>) offsets(%dma_start3A_257 : memref<16xi32, #tpu.memory_space<vmem>>) semaphore(%arg23 : memref<!tpu.dma_semaphore, #tpu.memory_space<semaphore_mem>>)
      } else {
      }
      %add3A_212 = arith.constant 3 : i32
      %add3A_213 = arith.addi %mul3A_95, %add3A_212 : i32
      %mul3A_214 = arith.constant 16 : i32
      %mul3A_215 = arith.muli %add3A_213, %mul3A_214 : i32
      %dma_wait3A_216 = tpu.memref_slice %arg7[%mul3A_215] : memref<8016xi32, #tpu.memory_space<vmem>> -> memref<16xi32, #tpu.memory_space<vmem>>
      %dma_wait3A_217 = arith.constant 0 : i32
      %dma_wait3A_218 = arith.constant 0 : i32
      %dma_wait3A_219 = tpu.memref_slice %arg6[%dma_wait3A_217, %dma_wait3A_218] : memref<10000x64xi32, #tpu.memory_space<vmem_shared>> -> memref<10000x64xi32, #tpu.memory_space<vmem_shared>>
      tpu.wait_indirect_dma semaphore(%arg24 : memref<!tpu.dma_semaphore, #tpu.memory_space<semaphore_mem>>) src(%dma_wait3A_219 : memref<10000x64xi32, #tpu.memory_space<vmem_shared>>) dst(%arg12 : memref<16x64xi32, #tpu.memory_space<vmem>>)
      %dma_wait3A_220 = tpu.memref_slice %arg8[%mul3A_215] : memref<8016xi32, #tpu.memory_space<vmem>> -> memref<16xi32, #tpu.memory_space<vmem>>
      %dma_wait3A_221 = arith.constant 0 : i32
      %dma_wait3A_222 = arith.constant 0 : i32
      %dma_wait3A_223 = tpu.memref_slice %arg6[%dma_wait3A_221, %dma_wait3A_222] : memref<10000x64xi32, #tpu.memory_space<vmem_shared>> -> memref<10000x64xi32, #tpu.memory_space<vmem_shared>>
      tpu.wait_indirect_dma semaphore(%arg24 : memref<!tpu.dma_semaphore, #tpu.memory_space<semaphore_mem>>) src(%dma_wait3A_223 : memref<10000x64xi32, #tpu.memory_space<vmem_shared>>) dst(%arg16 : memref<16x64xi32, #tpu.memory_space<vmem>>)
      %broadcast_in_dim3A_224 = arith.constant 0.000000e+00 : f32
      %broadcast_in_dim3A_225 = vector.broadcast %broadcast_in_dim3A_224 : f32 to vector<16xf32>
      %scan3A_226 = arith.constant 0 : i32
      %scan3A_227 = arith.constant 64 : i32
      %scan3A_228 = arith.addi %scan3A_226, %scan3A_227 : i32
      %scan3A_229 = arith.constant 8 : i32
      %scan3A_230 = scf.for %scan3A_251 = %scan3A_226 to %scan3A_228 step %scan3A_229 iter_args(%scan3A_252 = %broadcast_in_dim3A_225) -> (vector<16xf32>)  : i32 {
        %broadcast_in_dim3A_253 = vector.broadcast %scan3A_251 : i32 to vector<16xi32>
        %gather3A = tpu.vector_load_idx %arg12[%add3A_7, %broadcast_in_dim3A_253] : memref<16x64xi32, #tpu.memory_space<vmem>>[vector<16xi32>, vector<16xi32>], vector<16xi32>,
        %gather3A_254 = tpu.vector_load_idx %arg16[%add3A_7, %broadcast_in_dim3A_253] : memref<16x64xi32, #tpu.memory_space<vmem>>[vector<16xi32>, vector<16xi32>], vector<16xi32>,
        %bitcast3A = vector.bitcast %gather3A : vector<16xi32> to vector<32xbf16>
        %bitcast3A_255 = vector.bitcast %gather3A_254 : vector<16xi32> to vector<32xbf16>
        %mul3A_256 = arith.mulf %bitcast3A, %bitcast3A_255 : vector<32xbf16>
        %unpack3A = tpu.unpack_subelements %mul3A_256, 0 {pack_format = #tpu.pack_format<interleaved>} : vector<32xbf16> -> vector<16xf32>
        %unpack3A_257 = tpu.unpack_subelements %mul3A_256, 1 {pack_format = #tpu.pack_format<interleaved>} : vector<32xbf16> -> vector<16xf32>
        %add3A_258 = arith.addf %scan3A_252, %unpack3A : vector<16xf32>
        %add3A_259 = arith.addf %add3A_258, %unpack3A_257 : vector<16xf32>
        %scan3A_260 = arith.constant 1 : i32
        %scan3A_261 = arith.addi %scan3A_251, %scan3A_260 : i32
        %broadcast_in_dim3A_262 = vector.broadcast %scan3A_261 : i32 to vector<16xi32>
        %gather3A_263 = tpu.vector_load_idx %arg12[%add3A_7, %broadcast_in_dim3A_262] : memref<16x64xi32, #tpu.memory_space<vmem>>[vector<16xi32>, vector<16xi32>], vector<16xi32>,
        %gather3A_264 = tpu.vector_load_idx %arg16[%add3A_7, %broadcast_in_dim3A_262] : memref<16x64xi32, #tpu.memory_space<vmem>>[vector<16xi32>, vector<16xi32>], vector<16xi32>,
        %bitcast3A_265 = vector.bitcast %gather3A_263 : vector<16xi32> to vector<32xbf16>
        %bitcast3A_266 = vector.bitcast %gather3A_264 : vector<16xi32> to vector<32xbf16>
        %mul3A_267 = arith.mulf %bitcast3A_265, %bitcast3A_266 : vector<32xbf16>
        %unpack3A_268 = tpu.unpack_subelements %mul3A_267, 0 {pack_format = #tpu.pack_format<interleaved>} : vector<32xbf16> -> vector<16xf32>
        %unpack3A_269 = tpu.unpack_subelements %mul3A_267, 1 {pack_format = #tpu.pack_format<interleaved>} : vector<32xbf16> -> vector<16xf32>
        %add3A_270 = arith.addf %add3A_259, %unpack3A_268 : vector<16xf32>
        %add3A_271 = arith.addf %add3A_270, %unpack3A_269 : vector<16xf32>
        %scan3A_272 = arith.constant 2 : i32
        %scan3A_273 = arith.addi %scan3A_251, %scan3A_272 : i32
        %broadcast_in_dim3A_274 = vector.broadcast %scan3A_273 : i32 to vector<16xi32>
        %gather3A_275 = tpu.vector_load_idx %arg12[%add3A_7, %broadcast_in_dim3A_274] : memref<16x64xi32, #tpu.memory_space<vmem>>[vector<16xi32>, vector<16xi32>], vector<16xi32>,
        %gather3A_276 = tpu.vector_load_idx %arg16[%add3A_7, %broadcast_in_dim3A_274] : memref<16x64xi32, #tpu.memory_space<vmem>>[vector<16xi32>, vector<16xi32>], vector<16xi32>,
        %bitcast3A_277 = vector.bitcast %gather3A_275 : vector<16xi32> to vector<32xbf16>
        %bitcast3A_278 = vector.bitcast %gather3A_276 : vector<16xi32> to vector<32xbf16>
        %mul3A_279 = arith.mulf %bitcast3A_277, %bitcast3A_278 : vector<32xbf16>
        %unpack3A_280 = tpu.unpack_subelements %mul3A_279, 0 {pack_format = #tpu.pack_format<interleaved>} : vector<32xbf16> -> vector<16xf32>
        %unpack3A_281 = tpu.unpack_subelements %mul3A_279, 1 {pack_format = #tpu.pack_format<interleaved>} : vector<32xbf16> -> vector<16xf32>
        %add3A_282 = arith.addf %add3A_271, %unpack3A_280 : vector<16xf32>
        %add3A_283 = arith.addf %add3A_282, %unpack3A_281 : vector<16xf32>
        %scan3A_284 = arith.constant 3 : i32
        %scan3A_285 = arith.addi %scan3A_251, %scan3A_284 : i32
        %broadcast_in_dim3A_286 = vector.broadcast %scan3A_285 : i32 to vector<16xi32>
        %gather3A_287 = tpu.vector_load_idx %arg12[%add3A_7, %broadcast_in_dim3A_286] : memref<16x64xi32, #tpu.memory_space<vmem>>[vector<16xi32>, vector<16xi32>], vector<16xi32>,
        %gather3A_288 = tpu.vector_load_idx %arg16[%add3A_7, %broadcast_in_dim3A_286] : memref<16x64xi32, #tpu.memory_space<vmem>>[vector<16xi32>, vector<16xi32>], vector<16xi32>,
        %bitcast3A_289 = vector.bitcast %gather3A_287 : vector<16xi32> to vector<32xbf16>
        %bitcast3A_290 = vector.bitcast %gather3A_288 : vector<16xi32> to vector<32xbf16>
        %mul3A_291 = arith.mulf %bitcast3A_289, %bitcast3A_290 : vector<32xbf16>
        %unpack3A_292 = tpu.unpack_subelements %mul3A_291, 0 {pack_format = #tpu.pack_format<interleaved>} : vector<32xbf16> -> vector<16xf32>
        %unpack3A_293 = tpu.unpack_subelements %mul3A_291, 1 {pack_format = #tpu.pack_format<interleaved>} : vector<32xbf16> -> vector<16xf32>
        %add3A_294 = arith.addf %add3A_283, %unpack3A_292 : vector<16xf32>
        %add3A_295 = arith.addf %add3A_294, %unpack3A_293 : vector<16xf32>
        %scan3A_296 = arith.constant 4 : i32
        %scan3A_297 = arith.addi %scan3A_251, %scan3A_296 : i32
        %broadcast_in_dim3A_298 = vector.broadcast %scan3A_297 : i32 to vector<16xi32>
        %gather3A_299 = tpu.vector_load_idx %arg12[%add3A_7, %broadcast_in_dim3A_298] : memref<16x64xi32, #tpu.memory_space<vmem>>[vector<16xi32>, vector<16xi32>], vector<16xi32>,
        %gather3A_300 = tpu.vector_load_idx %arg16[%add3A_7, %broadcast_in_dim3A_298] : memref<16x64xi32, #tpu.memory_space<vmem>>[vector<16xi32>, vector<16xi32>], vector<16xi32>,
        %bitcast3A_301 = vector.bitcast %gather3A_299 : vector<16xi32> to vector<32xbf16>
        %bitcast3A_302 = vector.bitcast %gather3A_300 : vector<16xi32> to vector<32xbf16>
        %mul3A_303 = arith.mulf %bitcast3A_301, %bitcast3A_302 : vector<32xbf16>
        %unpack3A_304 = tpu.unpack_subelements %mul3A_303, 0 {pack_format = #tpu.pack_format<interleaved>} : vector<32xbf16> -> vector<16xf32>
        %unpack3A_305 = tpu.unpack_subelements %mul3A_303, 1 {pack_format = #tpu.pack_format<interleaved>} : vector<32xbf16> -> vector<16xf32>
        %add3A_306 = arith.addf %add3A_295, %unpack3A_304 : vector<16xf32>
        %add3A_307 = arith.addf %add3A_306, %unpack3A_305 : vector<16xf32>
        %scan3A_308 = arith.constant 5 : i32
        %scan3A_309 = arith.addi %scan3A_251, %scan3A_308 : i32
        %broadcast_in_dim3A_310 = vector.broadcast %scan3A_309 : i32 to vector<16xi32>
        %gather3A_311 = tpu.vector_load_idx %arg12[%add3A_7, %broadcast_in_dim3A_310] : memref<16x64xi32, #tpu.memory_space<vmem>>[vector<16xi32>, vector<16xi32>], vector<16xi32>,
        %gather3A_312 = tpu.vector_load_idx %arg16[%add3A_7, %broadcast_in_dim3A_310] : memref<16x64xi32, #tpu.memory_space<vmem>>[vector<16xi32>, vector<16xi32>], vector<16xi32>,
        %bitcast3A_313 = vector.bitcast %gather3A_311 : vector<16xi32> to vector<32xbf16>
        %bitcast3A_314 = vector.bitcast %gather3A_312 : vector<16xi32> to vector<32xbf16>
        %mul3A_315 = arith.mulf %bitcast3A_313, %bitcast3A_314 : vector<32xbf16>
        %unpack3A_316 = tpu.unpack_subelements %mul3A_315, 0 {pack_format = #tpu.pack_format<interleaved>} : vector<32xbf16> -> vector<16xf32>
        %unpack3A_317 = tpu.unpack_subelements %mul3A_315, 1 {pack_format = #tpu.pack_format<interleaved>} : vector<32xbf16> -> vector<16xf32>
        %add3A_318 = arith.addf %add3A_307, %unpack3A_316 : vector<16xf32>
        %add3A_319 = arith.addf %add3A_318, %unpack3A_317 : vector<16xf32>
        %scan3A_320 = arith.constant 6 : i32
        %scan3A_321 = arith.addi %scan3A_251, %scan3A_320 : i32
        %broadcast_in_dim3A_322 = vector.broadcast %scan3A_321 : i32 to vector<16xi32>
        %gather3A_323 = tpu.vector_load_idx %arg12[%add3A_7, %broadcast_in_dim3A_322] : memref<16x64xi32, #tpu.memory_space<vmem>>[vector<16xi32>, vector<16xi32>], vector<16xi32>,
        %gather3A_324 = tpu.vector_load_idx %arg16[%add3A_7, %broadcast_in_dim3A_322] : memref<16x64xi32, #tpu.memory_space<vmem>>[vector<16xi32>, vector<16xi32>], vector<16xi32>,
        %bitcast3A_325 = vector.bitcast %gather3A_323 : vector<16xi32> to vector<32xbf16>
        %bitcast3A_326 = vector.bitcast %gather3A_324 : vector<16xi32> to vector<32xbf16>
        %mul3A_327 = arith.mulf %bitcast3A_325, %bitcast3A_326 : vector<32xbf16>
        %unpack3A_328 = tpu.unpack_subelements %mul3A_327, 0 {pack_format = #tpu.pack_format<interleaved>} : vector<32xbf16> -> vector<16xf32>
        %unpack3A_329 = tpu.unpack_subelements %mul3A_327, 1 {pack_format = #tpu.pack_format<interleaved>} : vector<32xbf16> -> vector<16xf32>
        %add3A_330 = arith.addf %add3A_319, %unpack3A_328 : vector<16xf32>
        %add3A_331 = arith.addf %add3A_330, %unpack3A_329 : vector<16xf32>
        %scan3A_332 = arith.constant 7 : i32
        %scan3A_333 = arith.addi %scan3A_251, %scan3A_332 : i32
        %broadcast_in_dim3A_334 = vector.broadcast %scan3A_333 : i32 to vector<16xi32>
        %gather3A_335 = tpu.vector_load_idx %arg12[%add3A_7, %broadcast_in_dim3A_334] : memref<16x64xi32, #tpu.memory_space<vmem>>[vector<16xi32>, vector<16xi32>], vector<16xi32>,
        %gather3A_336 = tpu.vector_load_idx %arg16[%add3A_7, %broadcast_in_dim3A_334] : memref<16x64xi32, #tpu.memory_space<vmem>>[vector<16xi32>, vector<16xi32>], vector<16xi32>,
        %bitcast3A_337 = vector.bitcast %gather3A_335 : vector<16xi32> to vector<32xbf16>
        %bitcast3A_338 = vector.bitcast %gather3A_336 : vector<16xi32> to vector<32xbf16>
        %mul3A_339 = arith.mulf %bitcast3A_337, %bitcast3A_338 : vector<32xbf16>
        %unpack3A_340 = tpu.unpack_subelements %mul3A_339, 0 {pack_format = #tpu.pack_format<interleaved>} : vector<32xbf16> -> vector<16xf32>
        %unpack3A_341 = tpu.unpack_subelements %mul3A_339, 1 {pack_format = #tpu.pack_format<interleaved>} : vector<32xbf16> -> vector<16xf32>
        %add3A_342 = arith.addf %add3A_331, %unpack3A_340 : vector<16xf32>
        %add3A_343 = arith.addf %add3A_342, %unpack3A_341 : vector<16xf32>
        scf.yield %add3A_343 : vector<16xf32>
      }
      %scan3A_231 = arith.constant 64 : i32
      %ge3A_232 = arith.constant 4 : i32
      %ge3A_233 = arith.cmpi sge, %add3A_213, %ge3A_232 : i32
      %convert_element_type3A_234 = arith.extui %ge3A_233 : i1 to i32
      %cond3A_235 = arith.constant 0 : i32
      %cond3A_236 = arith.cmpi ne, %convert_element_type3A_234, %cond3A_235 : i32
      scf.if %cond3A_236 {
        %sub3A = arith.constant 4 : i32
        %sub3A_251 = arith.subi %add3A_213, %sub3A : i32
        %mul3A_252 = arith.constant 16 : i32
        %mul3A_253 = arith.muli %sub3A_251, %mul3A_252 : i32
        %add3A_254 = arith.addi %mul3A_2, %mul3A_253 : i32
        %dma_wait3A_255 = tpu.memref_slice %arg5[%add3A_254] : memref<256512xf32, #tpu.memory_space<hbm>> -> memref<16xf32, #tpu.memory_space<hbm>>
        %dma_wait3A_256 = tpu.memref_slice %arg5[%add3A_254] : memref<256512xf32, #tpu.memory_space<hbm>> -> memref<16xf32, #tpu.memory_space<hbm>>
        tpu.wait_dma2 semaphore(%arg28 : memref<!tpu.dma_semaphore, #tpu.memory_space<semaphore_mem>>) src(%arg20 : memref<16xf32, #tpu.memory_space<vmem>>) dst(%dma_wait3A_256 : memref<16xf32, #tpu.memory_space<hbm>>)
      } else {
      }
      %swap3A_237 = arith.constant 0 : index
      %swap3A_238 = tpu.vector_load %arg20[%swap3A_237] {strides = array<i32>} : memref<16xf32, #tpu.memory_space<vmem>>, vector<16xf32>,
      tpu.vector_store %arg20[%swap3A_237], %scan3A_230 {strides = array<i32>} : memref<16xf32, #tpu.memory_space<vmem>>, vector<16xf32>,
      %mul3A_239 = arith.constant 16 : i32
      %mul3A_240 = arith.muli %add3A_213, %mul3A_239 : i32
      %add3A_241 = arith.addi %mul3A_2, %mul3A_240 : i32
      %dma_start3A_242 = tpu.memref_slice %arg5[%add3A_241] : memref<256512xf32, #tpu.memory_space<hbm>> -> memref<16xf32, #tpu.memory_space<hbm>>
      %dma_start3A_243 = tpu.memref_slice %arg5[%add3A_241] : memref<256512xf32, #tpu.memory_space<hbm>> -> memref<16xf32, #tpu.memory_space<hbm>>
      tpu.enqueue_dma source(%arg20 : memref<16xf32, #tpu.memory_space<vmem>>) target(%dma_start3A_243 : memref<16xf32, #tpu.memory_space<hbm>>) target_semaphore(%arg28 : memref<!tpu.dma_semaphore, #tpu.memory_space<semaphore_mem>>)
      %add3A_244 = arith.constant 4 : i32
      %add3A_245 = arith.addi %add3A_213, %add3A_244 : i32
      %lt3A_246 = arith.constant 501 : i32
      %lt3A_247 = arith.cmpi slt, %add3A_245, %lt3A_246 : i32
      %convert_element_type3A_248 = arith.extui %lt3A_247 : i1 to i32
      %cond3A_249 = arith.constant 0 : i32
      %cond3A_250 = arith.cmpi ne, %convert_element_type3A_248, %cond3A_249 : i32
      scf.if %cond3A_250 {
        %mul3A_251 = arith.constant 16 : i32
        %mul3A_252 = arith.muli %add3A_245, %mul3A_251 : i32
        %dma_start3A_253 = tpu.memref_slice %arg7[%mul3A_252] : memref<8016xi32, #tpu.memory_space<vmem>> -> memref<16xi32, #tpu.memory_space<vmem>>
        %dma_start3A_254 = arith.constant 0 : i32
        %dma_start3A_255 = arith.constant 0 : i32
        %dma_start3A_256 = tpu.memref_slice %arg6[%dma_start3A_254, %dma_start3A_255] : memref<10000x64xi32, #tpu.memory_space<vmem_shared>> -> memref<10000x64xi32, #tpu.memory_space<vmem_shared>>
        tpu.enqueue_indirect_dma source(%dma_start3A_256 : memref<10000x64xi32, #tpu.memory_space<vmem_shared>>) target(%arg12 : memref<16x64xi32, #tpu.memory_space<vmem>>) offsets(%dma_start3A_253 : memref<16xi32, #tpu.memory_space<vmem>>) semaphore(%arg24 : memref<!tpu.dma_semaphore, #tpu.memory_space<semaphore_mem>>)
        %dma_start3A_257 = tpu.memref_slice %arg8[%mul3A_252] : memref<8016xi32, #tpu.memory_space<vmem>> -> memref<16xi32, #tpu.memory_space<vmem>>
        %dma_start3A_258 = arith.constant 0 : i32
        %dma_start3A_259 = arith.constant 0 : i32
        %dma_start3A_260 = tpu.memref_slice %arg6[%dma_start3A_258, %dma_start3A_259] : memref<10000x64xi32, #tpu.memory_space<vmem_shared>> -> memref<10000x64xi32, #tpu.memory_space<vmem_shared>>
        tpu.enqueue_indirect_dma source(%dma_start3A_260 : memref<10000x64xi32, #tpu.memory_space<vmem_shared>>) target(%arg16 : memref<16x64xi32, #tpu.memory_space<vmem>>) offsets(%dma_start3A_257 : memref<16xi32, #tpu.memory_space<vmem>>) semaphore(%arg24 : memref<!tpu.dma_semaphore, #tpu.memory_space<semaphore_mem>>)
      } else {
      }
    }
    %scan3A_51 = arith.constant 125 : i32
    %dma_wait3A = arith.constant 8000 : i32
    %dma_wait3A_52 = tpu.memref_slice %arg7[%dma_wait3A] : memref<8016xi32, #tpu.memory_space<vmem>> -> memref<16xi32, #tpu.memory_space<vmem>>
    %dma_wait3A_53 = arith.constant 0 : i32
    %dma_wait3A_54 = arith.constant 0 : i32
    %dma_wait3A_55 = tpu.memref_slice %arg6[%dma_wait3A_53, %dma_wait3A_54] : memref<10000x64xi32, #tpu.memory_space<vmem_shared>> -> memref<10000x64xi32, #tpu.memory_space<vmem_shared>>
    tpu.wait_indirect_dma semaphore(%arg21 : memref<!tpu.dma_semaphore, #tpu.memory_space<semaphore_mem>>) src(%dma_wait3A_55 : memref<10000x64xi32, #tpu.memory_space<vmem_shared>>) dst(%arg9 : memref<16x64xi32, #tpu.memory_space<vmem>>)
    %dma_wait3A_56 = arith.constant 8000 : i32
    %dma_wait3A_57 = tpu.memref_slice %arg8[%dma_wait3A_56] : memref<8016xi32, #tpu.memory_space<vmem>> -> memref<16xi32, #tpu.memory_space<vmem>>
    %dma_wait3A_58 = arith.constant 0 : i32
    %dma_wait3A_59 = arith.constant 0 : i32
    %dma_wait3A_60 = tpu.memref_slice %arg6[%dma_wait3A_58, %dma_wait3A_59] : memref<10000x64xi32, #tpu.memory_space<vmem_shared>> -> memref<10000x64xi32, #tpu.memory_space<vmem_shared>>
    tpu.wait_indirect_dma semaphore(%arg21 : memref<!tpu.dma_semaphore, #tpu.memory_space<semaphore_mem>>) src(%dma_wait3A_60 : memref<10000x64xi32, #tpu.memory_space<vmem_shared>>) dst(%arg13 : memref<16x64xi32, #tpu.memory_space<vmem>>)
    %broadcast_in_dim3A = arith.constant 0.000000e+00 : f32
    %broadcast_in_dim3A_61 = vector.broadcast %broadcast_in_dim3A : f32 to vector<16xf32>
    %scan3A_62 = arith.constant 0 : i32
    %scan3A_63 = arith.constant 64 : i32
    %scan3A_64 = arith.addi %scan3A_62, %scan3A_63 : i32
    %scan3A_65 = arith.constant 8 : i32
    %scan3A_66 = scf.for %scan3A_93 = %scan3A_62 to %scan3A_64 step %scan3A_65 iter_args(%scan3A_94 = %broadcast_in_dim3A_61) -> (vector<16xf32>)  : i32 {
      %broadcast_in_dim3A_95 = vector.broadcast %scan3A_93 : i32 to vector<16xi32>
      %gather3A = tpu.vector_load_idx %arg9[%add3A_7, %broadcast_in_dim3A_95] : memref<16x64xi32, #tpu.memory_space<vmem>>[vector<16xi32>, vector<16xi32>], vector<16xi32>,
      %gather3A_96 = tpu.vector_load_idx %arg13[%add3A_7, %broadcast_in_dim3A_95] : memref<16x64xi32, #tpu.memory_space<vmem>>[vector<16xi32>, vector<16xi32>], vector<16xi32>,
      %bitcast3A = vector.bitcast %gather3A : vector<16xi32> to vector<32xbf16>
      %bitcast3A_97 = vector.bitcast %gather3A_96 : vector<16xi32> to vector<32xbf16>
      %mul3A_98 = arith.mulf %bitcast3A, %bitcast3A_97 : vector<32xbf16>
      %unpack3A = tpu.unpack_subelements %mul3A_98, 0 {pack_format = #tpu.pack_format<interleaved>} : vector<32xbf16> -> vector<16xf32>
      %unpack3A_99 = tpu.unpack_subelements %mul3A_98, 1 {pack_format = #tpu.pack_format<interleaved>} : vector<32xbf16> -> vector<16xf32>
      %add3A_100 = arith.addf %scan3A_94, %unpack3A : vector<16xf32>
      %add3A_101 = arith.addf %add3A_100, %unpack3A_99 : vector<16xf32>
      %scan3A_102 = arith.constant 1 : i32
      %scan3A_103 = arith.addi %scan3A_93, %scan3A_102 : i32
      %broadcast_in_dim3A_104 = vector.broadcast %scan3A_103 : i32 to vector<16xi32>
      %gather3A_105 = tpu.vector_load_idx %arg9[%add3A_7, %broadcast_in_dim3A_104] : memref<16x64xi32, #tpu.memory_space<vmem>>[vector<16xi32>, vector<16xi32>], vector<16xi32>,
      %gather3A_106 = tpu.vector_load_idx %arg13[%add3A_7, %broadcast_in_dim3A_104] : memref<16x64xi32, #tpu.memory_space<vmem>>[vector<16xi32>, vector<16xi32>], vector<16xi32>,
      %bitcast3A_107 = vector.bitcast %gather3A_105 : vector<16xi32> to vector<32xbf16>
      %bitcast3A_108 = vector.bitcast %gather3A_106 : vector<16xi32> to vector<32xbf16>
      %mul3A_109 = arith.mulf %bitcast3A_107, %bitcast3A_108 : vector<32xbf16>
      %unpack3A_110 = tpu.unpack_subelements %mul3A_109, 0 {pack_format = #tpu.pack_format<interleaved>} : vector<32xbf16> -> vector<16xf32>
      %unpack3A_111 = tpu.unpack_subelements %mul3A_109, 1 {pack_format = #tpu.pack_format<interleaved>} : vector<32xbf16> -> vector<16xf32>
      %add3A_112 = arith.addf %add3A_101, %unpack3A_110 : vector<16xf32>
      %add3A_113 = arith.addf %add3A_112, %unpack3A_111 : vector<16xf32>
      %scan3A_114 = arith.constant 2 : i32
      %scan3A_115 = arith.addi %scan3A_93, %scan3A_114 : i32
      %broadcast_in_dim3A_116 = vector.broadcast %scan3A_115 : i32 to vector<16xi32>
      %gather3A_117 = tpu.vector_load_idx %arg9[%add3A_7, %broadcast_in_dim3A_116] : memref<16x64xi32, #tpu.memory_space<vmem>>[vector<16xi32>, vector<16xi32>], vector<16xi32>,
      %gather3A_118 = tpu.vector_load_idx %arg13[%add3A_7, %broadcast_in_dim3A_116] : memref<16x64xi32, #tpu.memory_space<vmem>>[vector<16xi32>, vector<16xi32>], vector<16xi32>,
      %bitcast3A_119 = vector.bitcast %gather3A_117 : vector<16xi32> to vector<32xbf16>
      %bitcast3A_120 = vector.bitcast %gather3A_118 : vector<16xi32> to vector<32xbf16>
      %mul3A_121 = arith.mulf %bitcast3A_119, %bitcast3A_120 : vector<32xbf16>
      %unpack3A_122 = tpu.unpack_subelements %mul3A_121, 0 {pack_format = #tpu.pack_format<interleaved>} : vector<32xbf16> -> vector<16xf32>
      %unpack3A_123 = tpu.unpack_subelements %mul3A_121, 1 {pack_format = #tpu.pack_format<interleaved>} : vector<32xbf16> -> vector<16xf32>
      %add3A_124 = arith.addf %add3A_113, %unpack3A_122 : vector<16xf32>
      %add3A_125 = arith.addf %add3A_124, %unpack3A_123 : vector<16xf32>
      %scan3A_126 = arith.constant 3 : i32
      %scan3A_127 = arith.addi %scan3A_93, %scan3A_126 : i32
      %broadcast_in_dim3A_128 = vector.broadcast %scan3A_127 : i32 to vector<16xi32>
      %gather3A_129 = tpu.vector_load_idx %arg9[%add3A_7, %broadcast_in_dim3A_128] : memref<16x64xi32, #tpu.memory_space<vmem>>[vector<16xi32>, vector<16xi32>], vector<16xi32>,
      %gather3A_130 = tpu.vector_load_idx %arg13[%add3A_7, %broadcast_in_dim3A_128] : memref<16x64xi32, #tpu.memory_space<vmem>>[vector<16xi32>, vector<16xi32>], vector<16xi32>,
      %bitcast3A_131 = vector.bitcast %gather3A_129 : vector<16xi32> to vector<32xbf16>
      %bitcast3A_132 = vector.bitcast %gather3A_130 : vector<16xi32> to vector<32xbf16>
      %mul3A_133 = arith.mulf %bitcast3A_131, %bitcast3A_132 : vector<32xbf16>
      %unpack3A_134 = tpu.unpack_subelements %mul3A_133, 0 {pack_format = #tpu.pack_format<interleaved>} : vector<32xbf16> -> vector<16xf32>
      %unpack3A_135 = tpu.unpack_subelements %mul3A_133, 1 {pack_format = #tpu.pack_format<interleaved>} : vector<32xbf16> -> vector<16xf32>
      %add3A_136 = arith.addf %add3A_125, %unpack3A_134 : vector<16xf32>
      %add3A_137 = arith.addf %add3A_136, %unpack3A_135 : vector<16xf32>
      %scan3A_138 = arith.constant 4 : i32
      %scan3A_139 = arith.addi %scan3A_93, %scan3A_138 : i32
      %broadcast_in_dim3A_140 = vector.broadcast %scan3A_139 : i32 to vector<16xi32>
      %gather3A_141 = tpu.vector_load_idx %arg9[%add3A_7, %broadcast_in_dim3A_140] : memref<16x64xi32, #tpu.memory_space<vmem>>[vector<16xi32>, vector<16xi32>], vector<16xi32>,
      %gather3A_142 = tpu.vector_load_idx %arg13[%add3A_7, %broadcast_in_dim3A_140] : memref<16x64xi32, #tpu.memory_space<vmem>>[vector<16xi32>, vector<16xi32>], vector<16xi32>,
      %bitcast3A_143 = vector.bitcast %gather3A_141 : vector<16xi32> to vector<32xbf16>
      %bitcast3A_144 = vector.bitcast %gather3A_142 : vector<16xi32> to vector<32xbf16>
      %mul3A_145 = arith.mulf %bitcast3A_143, %bitcast3A_144 : vector<32xbf16>
      %unpack3A_146 = tpu.unpack_subelements %mul3A_145, 0 {pack_format = #tpu.pack_format<interleaved>} : vector<32xbf16> -> vector<16xf32>
      %unpack3A_147 = tpu.unpack_subelements %mul3A_145, 1 {pack_format = #tpu.pack_format<interleaved>} : vector<32xbf16> -> vector<16xf32>
      %add3A_148 = arith.addf %add3A_137, %unpack3A_146 : vector<16xf32>
      %add3A_149 = arith.addf %add3A_148, %unpack3A_147 : vector<16xf32>
      %scan3A_150 = arith.constant 5 : i32
      %scan3A_151 = arith.addi %scan3A_93, %scan3A_150 : i32
      %broadcast_in_dim3A_152 = vector.broadcast %scan3A_151 : i32 to vector<16xi32>
      %gather3A_153 = tpu.vector_load_idx %arg9[%add3A_7, %broadcast_in_dim3A_152] : memref<16x64xi32, #tpu.memory_space<vmem>>[vector<16xi32>, vector<16xi32>], vector<16xi32>,
      %gather3A_154 = tpu.vector_load_idx %arg13[%add3A_7, %broadcast_in_dim3A_152] : memref<16x64xi32, #tpu.memory_space<vmem>>[vector<16xi32>, vector<16xi32>], vector<16xi32>,
      %bitcast3A_155 = vector.bitcast %gather3A_153 : vector<16xi32> to vector<32xbf16>
      %bitcast3A_156 = vector.bitcast %gather3A_154 : vector<16xi32> to vector<32xbf16>
      %mul3A_157 = arith.mulf %bitcast3A_155, %bitcast3A_156 : vector<32xbf16>
      %unpack3A_158 = tpu.unpack_subelements %mul3A_157, 0 {pack_format = #tpu.pack_format<interleaved>} : vector<32xbf16> -> vector<16xf32>
      %unpack3A_159 = tpu.unpack_subelements %mul3A_157, 1 {pack_format = #tpu.pack_format<interleaved>} : vector<32xbf16> -> vector<16xf32>
      %add3A_160 = arith.addf %add3A_149, %unpack3A_158 : vector<16xf32>
      %add3A_161 = arith.addf %add3A_160, %unpack3A_159 : vector<16xf32>
      %scan3A_162 = arith.constant 6 : i32
      %scan3A_163 = arith.addi %scan3A_93, %scan3A_162 : i32
      %broadcast_in_dim3A_164 = vector.broadcast %scan3A_163 : i32 to vector<16xi32>
      %gather3A_165 = tpu.vector_load_idx %arg9[%add3A_7, %broadcast_in_dim3A_164] : memref<16x64xi32, #tpu.memory_space<vmem>>[vector<16xi32>, vector<16xi32>], vector<16xi32>,
      %gather3A_166 = tpu.vector_load_idx %arg13[%add3A_7, %broadcast_in_dim3A_164] : memref<16x64xi32, #tpu.memory_space<vmem>>[vector<16xi32>, vector<16xi32>], vector<16xi32>,
      %bitcast3A_167 = vector.bitcast %gather3A_165 : vector<16xi32> to vector<32xbf16>
      %bitcast3A_168 = vector.bitcast %gather3A_166 : vector<16xi32> to vector<32xbf16>
      %mul3A_169 = arith.mulf %bitcast3A_167, %bitcast3A_168 : vector<32xbf16>
      %unpack3A_170 = tpu.unpack_subelements %mul3A_169, 0 {pack_format = #tpu.pack_format<interleaved>} : vector<32xbf16> -> vector<16xf32>
      %unpack3A_171 = tpu.unpack_subelements %mul3A_169, 1 {pack_format = #tpu.pack_format<interleaved>} : vector<32xbf16> -> vector<16xf32>
      %add3A_172 = arith.addf %add3A_161, %unpack3A_170 : vector<16xf32>
      %add3A_173 = arith.addf %add3A_172, %unpack3A_171 : vector<16xf32>
      %scan3A_174 = arith.constant 7 : i32
      %scan3A_175 = arith.addi %scan3A_93, %scan3A_174 : i32
      %broadcast_in_dim3A_176 = vector.broadcast %scan3A_175 : i32 to vector<16xi32>
      %gather3A_177 = tpu.vector_load_idx %arg9[%add3A_7, %broadcast_in_dim3A_176] : memref<16x64xi32, #tpu.memory_space<vmem>>[vector<16xi32>, vector<16xi32>], vector<16xi32>,
      %gather3A_178 = tpu.vector_load_idx %arg13[%add3A_7, %broadcast_in_dim3A_176] : memref<16x64xi32, #tpu.memory_space<vmem>>[vector<16xi32>, vector<16xi32>], vector<16xi32>,
      %bitcast3A_179 = vector.bitcast %gather3A_177 : vector<16xi32> to vector<32xbf16>
      %bitcast3A_180 = vector.bitcast %gather3A_178 : vector<16xi32> to vector<32xbf16>
      %mul3A_181 = arith.mulf %bitcast3A_179, %bitcast3A_180 : vector<32xbf16>
      %unpack3A_182 = tpu.unpack_subelements %mul3A_181, 0 {pack_format = #tpu.pack_format<interleaved>} : vector<32xbf16> -> vector<16xf32>
      %unpack3A_183 = tpu.unpack_subelements %mul3A_181, 1 {pack_format = #tpu.pack_format<interleaved>} : vector<32xbf16> -> vector<16xf32>
      %add3A_184 = arith.addf %add3A_173, %unpack3A_182 : vector<16xf32>
      %add3A_185 = arith.addf %add3A_184, %unpack3A_183 : vector<16xf32>
      scf.yield %add3A_185 : vector<16xf32>
    }
    %scan3A_67 = arith.constant 64 : i32
    %add3A_68 = arith.constant 7936 : i32
    %add3A_69 = arith.addi %mul3A_2, %add3A_68 : i32
    %dma_wait3A_70 = tpu.memref_slice %arg5[%add3A_69] : memref<256512xf32, #tpu.memory_space<hbm>> -> memref<16xf32, #tpu.memory_space<hbm>>
    %dma_wait3A_71 = tpu.memref_slice %arg5[%add3A_69] : memref<256512xf32, #tpu.memory_space<hbm>> -> memref<16xf32, #tpu.memory_space<hbm>>
    tpu.wait_dma2 semaphore(%arg25 : memref<!tpu.dma_semaphore, #tpu.memory_space<semaphore_mem>>) src(%arg17 : memref<16xf32, #tpu.memory_space<vmem>>) dst(%dma_wait3A_71 : memref<16xf32, #tpu.memory_space<hbm>>)
    %swap3A = arith.constant 0 : index
    %swap3A_72 = tpu.vector_load %arg17[%swap3A] {strides = array<i32>} : memref<16xf32, #tpu.memory_space<vmem>>, vector<16xf32>,
    tpu.vector_store %arg17[%swap3A], %scan3A_66 {strides = array<i32>} : memref<16xf32, #tpu.memory_space<vmem>>, vector<16xf32>,
    %add3A_73 = arith.constant 8000 : i32
    %add3A_74 = arith.addi %mul3A_2, %add3A_73 : i32
    %dma_start3A_75 = tpu.memref_slice %arg5[%add3A_74] : memref<256512xf32, #tpu.memory_space<hbm>> -> memref<16xf32, #tpu.memory_space<hbm>>
    %dma_start3A_76 = tpu.memref_slice %arg5[%add3A_74] : memref<256512xf32, #tpu.memory_space<hbm>> -> memref<16xf32, #tpu.memory_space<hbm>>
    tpu.enqueue_dma source(%arg17 : memref<16xf32, #tpu.memory_space<vmem>>) target(%dma_start3A_76 : memref<16xf32, #tpu.memory_space<hbm>>) target_semaphore(%arg25 : memref<!tpu.dma_semaphore, #tpu.memory_space<semaphore_mem>>)
    %add3A_77 = arith.constant 7952 : i32
    %add3A_78 = arith.addi %mul3A_2, %add3A_77 : i32
    %dma_wait3A_79 = tpu.memref_slice %arg5[%add3A_78] : memref<256512xf32, #tpu.memory_space<hbm>> -> memref<16xf32, #tpu.memory_space<hbm>>
    %dma_wait3A_80 = tpu.memref_slice %arg5[%add3A_78] : memref<256512xf32, #tpu.memory_space<hbm>> -> memref<16xf32, #tpu.memory_space<hbm>>
    tpu.wait_dma2 semaphore(%arg26 : memref<!tpu.dma_semaphore, #tpu.memory_space<semaphore_mem>>) src(%arg18 : memref<16xf32, #tpu.memory_space<vmem>>) dst(%dma_wait3A_80 : memref<16xf32, #tpu.memory_space<hbm>>)
    %add3A_81 = arith.constant 7968 : i32
    %add3A_82 = arith.addi %mul3A_2, %add3A_81 : i32
    %dma_wait3A_83 = tpu.memref_slice %arg5[%add3A_82] : memref<256512xf32, #tpu.memory_space<hbm>> -> memref<16xf32, #tpu.memory_space<hbm>>
    %dma_wait3A_84 = tpu.memref_slice %arg5[%add3A_82] : memref<256512xf32, #tpu.memory_space<hbm>> -> memref<16xf32, #tpu.memory_space<hbm>>
    tpu.wait_dma2 semaphore(%arg27 : memref<!tpu.dma_semaphore, #tpu.memory_space<semaphore_mem>>) src(%arg19 : memref<16xf32, #tpu.memory_space<vmem>>) dst(%dma_wait3A_84 : memref<16xf32, #tpu.memory_space<hbm>>)
    %add3A_85 = arith.constant 7984 : i32
    %add3A_86 = arith.addi %mul3A_2, %add3A_85 : i32
    %dma_wait3A_87 = tpu.memref_slice %arg5[%add3A_86] : memref<256512xf32, #tpu.memory_space<hbm>> -> memref<16xf32, #tpu.memory_space<hbm>>
    %dma_wait3A_88 = tpu.memref_slice %arg5[%add3A_86] : memref<256512xf32, #tpu.memory_space<hbm>> -> memref<16xf32, #tpu.memory_space<hbm>>
    tpu.wait_dma2 semaphore(%arg28 : memref<!tpu.dma_semaphore, #tpu.memory_space<semaphore_mem>>) src(%arg20 : memref<16xf32, #tpu.memory_space<vmem>>) dst(%dma_wait3A_88 : memref<16xf32, #tpu.memory_space<hbm>>)
    %add3A_89 = arith.constant 8000 : i32
    %add3A_90 = arith.addi %mul3A_2, %add3A_89 : i32
    %dma_wait3A_91 = tpu.memref_slice %arg5[%add3A_90] : memref<256512xf32, #tpu.memory_space<hbm>> -> memref<16xf32, #tpu.memory_space<hbm>>
    %dma_wait3A_92 = tpu.memref_slice %arg5[%add3A_90] : memref<256512xf32, #tpu.memory_space<hbm>> -> memref<16xf32, #tpu.memory_space<hbm>>
    tpu.wait_dma2 semaphore(%arg25 : memref<!tpu.dma_semaphore, #tpu.memory_space<semaphore_mem>>) src(%arg17 : memref<16xf32, #tpu.memory_space<vmem>>) dst(%dma_wait3A_92 : memref<16xf32, #tpu.memory_space<hbm>>)
    return
  }
}

module attributes {stable_mosaic.version = 14 : i64} {
  func.func @_tc_body(%arg0: i32, %arg1: memref<256xi32, #tpu.memory_space<smem>>, %arg2: memref<256xi32, #tpu.memory_space<smem>>, %arg3: memref<10000x128xf32, #tpu.memory_space<vmem>>, %arg4: memref<256xf32, #tpu.memory_space<vmem>>, %arg5: memref<256x128xf32, #tpu.memory_space<vmem>>, %arg6: memref<256x128xf32, #tpu.memory_space<vmem>>) attributes {dimension_semantics = [#tpu.dimension_semantics<arbitrary>], iteration_bounds = array<i64: 248>, scalar_prefetch = 0 : i64, scratch_operands = 2 : i64, tpu.core_type = #tpu.core_type<tc>, window_params = [{transform_indices = @transform_0, window_bounds = array<i64: 256>}, {transform_indices = @transform_1, window_bounds = array<i64: 256>}, {pipeline_mode = #tpu.pipeline_mode<synchronous>, transform_indices = @transform_2, window_bounds = array<i64: 10000, 128>}, {transform_indices = @transform_3, window_bounds = array<i64: 256>}]} {
    %scan3A = arith.constant 0 : i32
    %scan3A_0 = arith.constant 256 : i32
    %scan3A_1 = arith.addi %scan3A, %scan3A_0 : i32
    %scan3A_2 = arith.constant 1 : i32
    scf.for %scan3A_11 = %scan3A to %scan3A_1 step %scan3A_2  : i32 {
      %get3A_12 = arith.index_cast %scan3A_11 : i32 to index
      %get3A_13 = memref.load %arg1[%get3A_12] : memref<256xi32, #tpu.memory_space<smem>>
      %get3A_14 = arith.index_cast %get3A_13 : i32 to index
      %get3A_15 = arith.constant 0 : index
      %get3A_16 = vector.load %arg3[%get3A_14, %get3A_15] : memref<10000x128xf32, #tpu.memory_space<vmem>>, vector<1x128xf32>
      %swap3A_17 = arith.index_cast %scan3A_11 : i32 to index
      %swap3A_18 = arith.constant 0 : index
      %swap3A_19 = vector.load %arg5[%swap3A_17, %swap3A_18] : memref<256x128xf32, #tpu.memory_space<vmem>>, vector<1x128xf32>
      tpu.vector_store %arg5[%swap3A_17, %swap3A_18], %get3A_16 {strides = array<i32>} : memref<256x128xf32, #tpu.memory_space<vmem>>, vector<1x128xf32>,
      %get3A_20 = arith.index_cast %scan3A_11 : i32 to index
      %get3A_21 = memref.load %arg2[%get3A_20] : memref<256xi32, #tpu.memory_space<smem>>
      %get3A_22 = arith.index_cast %get3A_21 : i32 to index
      %get3A_23 = arith.constant 0 : index
      %get3A_24 = vector.load %arg3[%get3A_22, %get3A_23] : memref<10000x128xf32, #tpu.memory_space<vmem>>, vector<1x128xf32>
      %swap3A_25 = arith.index_cast %scan3A_11 : i32 to index
      %swap3A_26 = arith.constant 0 : index
      %swap3A_27 = vector.load %arg6[%swap3A_25, %swap3A_26] : memref<256x128xf32, #tpu.memory_space<vmem>>, vector<1x128xf32>
      tpu.vector_store %arg6[%swap3A_25, %swap3A_26], %get3A_24 {strides = array<i32>} : memref<256x128xf32, #tpu.memory_space<vmem>>, vector<1x128xf32>,
    }
    %scan3A_3 = arith.constant 256 : i32
    %get3A = arith.constant 0 : index
    %get3A_4 = arith.constant 0 : index
    %get3A_5 = vector.load %arg5[%get3A, %get3A_4] : memref<256x128xf32, #tpu.memory_space<vmem>>, vector<256x128xf32>
    %get3A_6 = arith.constant 0 : index
    %get3A_7 = arith.constant 0 : index
    %get3A_8 = vector.load %arg6[%get3A_6, %get3A_7] : memref<256x128xf32, #tpu.memory_space<vmem>>, vector<256x128xf32>
    %mul3A = arith.mulf %get3A_5, %get3A_8 : vector<256x128xf32>
    %reduce_sum3A = arith.constant dense<0.000000e+00> : vector<256xf32>
    %reduce_sum3A_9 = vector.multi_reduction <add>, %mul3A, %reduce_sum3A [1] : vector<256x128xf32> to vector<256xf32>
    %swap3A = arith.constant 0 : index
    %swap3A_10 = vector.load %arg4[%swap3A] : memref<256xf32, #tpu.memory_space<vmem>>, vector<256xf32>
    tpu.vector_store %arg4[%swap3A], %reduce_sum3A_9 {strides = array<i32>} : memref<256xf32, #tpu.memory_space<vmem>>, vector<256xf32>,
    return
  }
  func.func @transform_0(%arg0: i32) -> i32 {
    %c0_i32 = arith.constant 0 : i32
    return %arg0 : i32
  }
  func.func @transform_1(%arg0: i32) -> i32 {
    %c0_i32 = arith.constant 0 : i32
    return %arg0 : i32
  }
  func.func @transform_2(%arg0: i32) -> (i32, i32) {
    %c0_i32 = arith.constant 0 : i32
    %c0_i32_0 = arith.constant 0 : i32
    %c0_i32_1 = arith.constant 0 : i32
    return %c0_i32, %c0_i32_0 : i32, i32
  }
  func.func @transform_3(%arg0: i32) -> i32 {
    %c0_i32 = arith.constant 0 : i32
    return %arg0 : i32
  }
}

</mosaic_0001>

<sc_bundles>
// kernel: kernel.4.cloned.1.call-start
scs
__scs_entry_jumppad:
0x0: {  	(pc) =	sbr.rel $0x88, $3  }
0x1: {  	(tag) =	ssettag $0x0;
	lr =	simm.s32 $0x1  }
0x2: {  	[smem:$0x3F9F] =	sst lr;
	_ =	strace $0xD0000000  }
0x3: {  	_ = 	snop  }
0x4: {  	_ = 	snop  }
0x5: {  	_ = 	snop  }
0x6: {  	_ = 	snop  }
0x7: {  	_ = 	snop  }
__scs_overlays_trampoline_lowered:
0x8: {  	[smem:$0x3FAE] =	sst s0  }
0x9: {  	[smem:$0x3FAF] =	sst s1  }
0xa: {  	[smem:$0x3FB0] =	sst s2  }
0xb: {  	[smem:$0x3FB1] =	sst s3  }
0xc: {  	[smem:$0x3FB2] =	sst s4  }
0xd: {  	[smem:$0x3FB3] =	sst s5  }
0xe: {  	[smem:$0x3FB4] =	sst s6  }
0xf: {  	[smem:$0x3FB5] =	sst s7  }
0x10: {  	[smem:$0x3FB6] =	sst s8  }
0x11: {  	[smem:$0x3FB7] =	sst s9;
	s0 =	simm.s32 @!p0 $0x0  }
0x12: {  	s1 =	sld [smem:$0x3F9D];
	s0 =	simm.s32 @p0 $0x1  }
0x13: {  	[smem:$0x3FB8] =	sst s0;
	s0 =	simm.s32 @!p1 $0x0  }
0x14: {  	s2 =	sld [smem:$0x3F9C];
	s0 =	simm.s32 @p1 $0x1  }
0x15: {  	[smem:$0x3FB9] =	sst s0;
	s0 =	simm.s32 @!p2 $0x0  }
0x16: {  	s3 =	sld [smem:$0x3FDB];
	s0 =	simm.s32 @p2 $0x1  }
0x17: {  	s4 =	simm.s32 $0x1BF5;
	[smem:$0x3FBB] =	sst s0  }
0x18: {  	s0 =	sld [smem:$0x3F9E];
	_ =	swait.ge [sflag:s4], $0x0  }
0x19: {  	s7 =	sld [smem:$0x3F9F]  }
0x1a: {  	s8 =	sadd.s32 $0xFFFFE003, lr  }
0x1b: {  	s9 =	sadd.s32 $0xFFFFFEF7, lr;
	s5 =	simm.s32 $0xFFFFFFFF;
	p2 =	slt.u32 s8, $0xFFFFF086  }
0x1c: {  	p1 =	slt.u32 s9, $0xF7A;
	s5 =	simm.s32 @!p2 $0x0  }
0x1d: {  	s5 =	simm.s32 @p1 $0x1;
	p0 =	seq.s32 s7, s2  }
0x1e: {  	s7 =	smul.u32 @!p0 $0xF7A, s2;
	p2 =	seq.s32 @!p0 s5, $0x0  }
0x1f: {  	s9 =	smul.u32 $0xF7A, s1;
	s8 =	simm.s32 @!p0 $0x1BF5;
	p2 =	por !p2, p0  }
0x20: {  	[sflag:s8] =	ssyncset.s32 @!p0 $0xFFFFF086;
	s6 =	sadd.s32 @!p0 s3, s7;
	s7 =	simm.s32 @!p0 $0x108  }
0x21: {  	s3 =	sadd.s32 s3, s9;
	s6 =	sadd.s32 @!p0 $0x88, s6;
	s7 =	simm.s32 @p2 $0x1082  }
0x22: {  	[simem:s7], [sflag:s8] =	dma.local @!p0 [hbm:s6], $0xF7A  }
0x23: {  	s9 =	sor.u32 $0xD0000000, s2;
	s6 =	simm.s32 $0x108;
	_ =	swait.ge @!p0 [sflag:s8], $0x0  }
0x24: {  	s3 =	sadd.s32 $0x88, s3;
	s6 =	simm.s32 @!p1 $0x1082;
	[sflag:s4] =	ssyncset.s32 $0xFFFFF086  }
0x25: {  	[simem:s6], [sflag:s4] =	dma.local [hbm:s3], $0xF7A  }
0x26: {  	[smem:$0x3F9F] =	sst s1;
	(tag) =	ssettag s2;
	_ =	strace s9  }
0x27: {  	s1 =	sld [smem:$0x3FAF]  }
0x28: {  	s2 =	sld [smem:$0x3FB0]  }
0x29: {  	s4 =	sld [smem:$0x3FB2]  }
0x2a: {  	p0 =	seq.s32 s5, $0x0;
	s5 =	sld [smem:$0x3FB3]  }
0x2b: {  	s6 =	sld [smem:$0x3FB4]  }
0x2c: {  	s7 =	sld [smem:$0x3FB5]  }
0x2d: {  	s3 =	simm.s32 $0x108;
	s8 =	sld [smem:$0x3FB6]  }
0x2e: {  	s3 =	simm.s32 @!p0 $0x1082;
	s9 =	sld [smem:$0x3FB7]  }
0x2f: {  	lr =	sadd.s32 s0, s3;
	s0 =	sld [smem:$0x3FAE]  }
0x30: {  	s3 =	sld [smem:$0x3FB1]  }
0x31: {  	[smem:$0x3FBA] =	sst s10  }
0x32: {  	s10 =	sld [smem:$0x3FB8];
	_ =	sdelay $0x3  }
0x33: {  	p0 =	seq.s32 s10, $0x1;
	s10 =	sld [smem:$0x3FBA];
	_ =	sdelay $0x3  }
0x34: {  	[smem:$0x3FBA] =	sst s10  }
0x35: {  	s10 =	sld [smem:$0x3FB9];
	_ =	sdelay $0x3  }
0x36: {  	p1 =	seq.s32 s10, $0x1;
	s10 =	sld [smem:$0x3FBA];
	_ =	sdelay $0x3  }
0x37: {  	[smem:$0x3FBA] =	sst s10  }
0x38: {  	s10 =	sld [smem:$0x3FBB]  }
0x39: {  	_ = 	snop;
	(pc) =	sbr.ind lr, $3  }
0x3a: {  	_ = 	snop  }
0x3b: {  	_ = 	snop  }
0x3c: {  	p2 =	seq.s32 s10, $0x1;
	s10 =	sld [smem:$0x3FBA]  }
0x3d: {  	_ =	shalt  }
0x3e: {  	_ =	shalt  }
0x3f: {  	_ =	shalt  }
0x40: {  	_ =	shalt  }
0x41: {  	_ =	shalt  }
0x42: {  	_ =	shalt  }
0x43: {  	_ =	shalt  }
0x44: {  	_ =	shalt  }
0x45: {  	_ =	shalt  }
0x46: {  	_ =	shalt  }
0x47: {  	_ =	shalt  }
0x48: {  	_ =	shalt  }
0x49: {  	_ =	shalt  }
0x4a: {  	_ =	shalt  }
0x4b: {  	_ =	shalt  }
0x4c: {  	_ =	shalt  }
0x4d: {  	_ =	shalt  }
0x4e: {  	_ =	shalt  }
0x4f: {  	_ =	shalt  }
0x50: {  	_ =	shalt  }
0x51: {  	_ =	shalt  }
0x52: {  	_ =	shalt  }
0x53: {  	_ =	shalt  }
0x54: {  	_ =	shalt  }
0x55: {  	_ =	shalt  }
0x56: {  	_ =	shalt  }
0x57: {  	_ =	shalt  }
0x58: {  	_ =	shalt  }
0x59: {  	_ =	shalt  }
0x5a: {  	_ =	shalt  }
0x5b: {  	_ =	shalt  }
0x5c: {  	_ =	shalt  }
0x5d: {  	_ =	shalt  }
0x5e: {  	_ =	shalt  }
0x5f: {  	_ =	shalt  }
0x60: {  	_ =	shalt  }
0x61: {  	_ =	shalt  }
0x62: {  	_ =	shalt  }
0x63: {  	_ =	shalt  }
0x64: {  	_ =	shalt  }
0x65: {  	_ =	shalt  }
0x66: {  	_ =	shalt  }
0x67: {  	_ =	shalt  }
0x68: {  	_ =	shalt  }
0x69: {  	_ =	shalt  }
0x6a: {  	_ =	shalt  }
0x6b: {  	_ =	shalt  }
0x6c: {  	_ =	shalt  }
0x6d: {  	_ =	shalt  }
0x6e: {  	_ =	shalt  }
0x6f: {  	_ =	shalt  }
0x70: {  	_ =	shalt  }
0x71: {  	_ =	shalt  }
0x72: {  	_ =	shalt  }
0x73: {  	_ =	shalt  }
0x74: {  	_ =	shalt  }
0x75: {  	_ =	shalt  }
0x76: {  	_ =	shalt  }
0x77: {  	_ =	shalt  }
0x78: {  	_ =	shalt  }
0x79: {  	_ =	shalt  }
0x7a: {  	_ =	shalt  }
0x7b: {  	_ =	shalt  }
0x7c: {  	_ =	shalt  }
0x7d: {  	_ =	shalt  }
0x7e: {  	_ =	shalt  }
0x7f: {  	_ =	shalt  }
0x80: {  	_ =	shalt  }
0x81: {  	_ =	shalt  }
0x82: {  	_ =	shalt  }
0x83: {  	_ =	shalt  }
0x84: {  	_ =	shalt  }
0x85: {  	_ =	shalt  }
0x86: {  	_ =	shalt  }
0x87: {  	_ =	shalt  }
.Lfunc_end0:
.L_simem_size_0:
called_computation_lowered:
.L_overlay_start_0:
0x88: {  	s2 =	sld [smem:$0x3FD9]  }
0x89: {  	s3 =	sld [smem:$0x3FFE];
	_ =	sdelay $0x1  }
0x8a: {  	s1 =	srdreg.scid  }
0x8b: {  	s0 =	sand.u32 $0x1, s1  }
0x8c: {  	s17 =	sshll.u32 s0, $0xA;
	s2 =	sadd.s32 s3, s2  }
0x8d: {  	s2 =	sadd.s32 s2, s17  }
0x8e: {  	[smem:$0x3FC6] =	sst s2  }
0x8f: {  	_ = 	snop  }
0x90: {  	s2 =	sld [smem:$0x3FD0];
	(tm) =	ssettm $0x1  }
0x91: {  	s18 =	sld [smem:$0x3FFB];
	_ =	sdelay $0x3  }
0x92: {  	_ =	strace s18  }
0x93: {  	s3 =	sld [smem:$0x3FFC];
	_ =	sdelay $0x3  }
0x94: {  	_ =	strace s3  }
0x95: {  	s3 =	sld [smem:$0x3FFD];
	_ =	sdelay $0x3  }
0x96: {  	_ =	strace s3  }
0x97: {  	_ =	strace $0x8FFFFFFF  }
0x98: {  	s19 =	sld [smem:$0x3FDB];
	_ =	sdelay $0x1  }
0x99: {  	s4 =	simm.s32 $_scs_section_size  }
0x9a: {  	s5 =	simm.s32 $_size__tile_overlayer_lowered;
	s6 =	simm.s32 $_tile_overlayer_lowered  }
0x9b: {  	s22 =	simm.s32 $0x1BFF;
	s21 =	sshll.u32 s6, $0x1;
	s3 =	sadd.s32 s4, s19  }
0x9c: {  	s7 =	simm.s32 $0x0;
	s20 =	sshll.u32 s5, $0x1;
	s5 =	sadd.s32 s21, s3  }
0x9d: {  	[timem:s7], [sflag:s22] =	dma.local [hbm:s5], s20  }
0x9e: {  	_ =	swait.ge [sflag:s22], s20  }
0x9f: {  	s4 =	ssub.s32 $0x0, s20;
	[sflag:s22] =	ssyncset.done $0x0  }
0xa0: {  	[sflag:s22] =	ssyncadd.s32 s4;
	_ =	sdelay $0x1  }
0xa1: {  	s23 =	simm.s32 $0x1B8B  }
0xa2: {  	_ =	swait.ge [sflag:s23], $0x1  }
0xa3: {  	[sflag:s23] =	ssyncset.done $0x0  }
0xa4: {  	s25 =	simm.s32 $0x1B8E;
	s24 =	sld [smem:$0x3FFE];
	[sflag:s23] =	ssyncadd.s32 $0xFFFFFFFF  }
0xa5: {  	s26 =	simm.s32 $execute0_lowered;
	[smem:$0x3FD2] =	sst s25  }
0xa6: {  	s5 =	sshll.u32 s26, $0x1;
	_ =	strace $0x80000046;
	[dreg:$0x1] =	wrdreg $0xFFFFFFFF  }
0xa7: {  	s28 =	simm.s32 $_size_execute0_lowered;
	s3 =	sadd.s32 s3, s5;
	[dreg:$0x0] =	wrdreg $0x0  }
0xa8: {  	s5 =	sshll.u32 s28, $0x1;
	[dreg:$0x2] =	wrdreg s3  }
0xa9: {  	[dreg:$0x3] =	wrdreg s5  }
0xaa: {  	[dreg:$0x4] =	wrdreg $0xC0  }
0xab: {  	_ =	task [dreg:s7], $0x5FFFF  }
0xac: {  	[dreg:$0x1] =	wrdreg $0xFFFFFFFF  }
0xad: {  	[dreg:$0x0] =	wrdreg $0x60  }
0xae: {  	[dreg:$0x2] =	wrdreg s24  }
0xaf: {  	[dreg:$0x3] =	wrdreg s2  }
0xb0: {  	[dreg:$0x4] =	wrdreg $0x0  }
0xb1: {  	[dreg:$0x5] =	wrdreg $0x9  }
0xb2: {  	_ =	task.clear_ibuf [dreg:s7], $0x6FFFF;
	_ =	strace $0x90000046  }
0xb3: {  	s29 =	simm.s32 $0x9;
	_ =	strace $0x80000048  }
0xb4: {  	_ =	swait.ge [sflag:s29], $0x1  }
0xb5: {  	[sflag:s29] =	ssyncadd.s32 $0xFFFFFFFF  }
0xb6: {  	_ =	strace $0x90000048  }
0xb7: {  	_ =	sfence  }
0xb8: {  	s30 =	sld [smem:$0x0];
	_ =	sdelay $0x2  }
0xb9: {  	s31 =	sshll.u32 s1, $0xD;
	s1 =	sshrl.u32 s1, $0x2  }
0xba: {  	s3 =	sand.u32 $0x4000, s31;
	s1 =	sadd.s32 s1, s30  }
0xbb: {  	s0 =	sor.u32 s3, s0;
	s1 =	sshll.u32 s1, $0x11  }
0xbc: {  	s0 =	sor.u32 s1, s0  }
0xbd: {  	s0 =	sadd.s32 $0x8F2B, s0  }
0xbe: {  	[sflag:s0] =	ssyncadd.remote.s32 $0x1  }
0xbf: {  	_ =	sfence.sel $0xFFFF  }
0xc0: {  	[dreg:$0x0] =	wrdreg $0xFFFFFFFF;
	(pc) =	sbr.abs _section_cstart, $3  }
0xc1: {  	[dreg:$0x1] =	wrdreg $0xFFFFFFFF  }
0xc2: {  	_ =	task.clear_ibuf [dreg:s7], $0x2FFFF;
	_ =	strace $0x9FFFFFFF  }
0xc3: {  	(tm) =	ssettm $0x7FFFFFFF  }
tec
execute0_lowered:
.L_overlay_start_1:
0x0: {  	(tag) =	ssettag $0x1  }
0x1: {  	s0 =	rddreg [dreg:$0x0]  }
0x2: {  	s1 =	rddreg [dreg:$0x1]  }
0x3: {  	s2 =	rddreg [dreg:$0x2]  }
0x4: {  	s13 =	stileid.u32;
	s3 =	srdreg.scid;
	s19 =	simm.s32 $0x10  }
0x5: {  	s20 =	simm.s32 $0xDAE0;
	s21 =	simm.s32 $0xEAE0;
	s23 =	simm.s32 $0xDEE0  }
0x6: {  	s28 =	simm.s32 $0xE2E0;
	s30 =	simm.s32 $0xF2E0;
	s22 =	simm.s32 $0xF6E0  }
0x7: {  	s29 =	simm.s32 $0x2;
	s31 =	simm.s32 $0xFAF0;
	s16 =	simm.s32 $0xFB00  }
0x8: {  	s18 =	simm.s32 $0x4;
	s14 =	simm.s32 $0x0;
	s5 =	sand.u32 $0x1, s3  }
0x9: {  	s4 =	sshll.u32 s13, $0x1;
	s3 =	simm.s32 $0x0;
	s6 =	smul.u32 $0xFA00, s13  }
0xa: {  	p0 =	sgt.u32 s13, $0x9;
	s4 =	sor.u32 s5, s4;
	[smem:$0x7FF] =	sst s3  }
0xb: {  	s8 =	ssub.s32 $0x2, s5;
	s5 =	sadd.s32 $0x1BA00, s0;
	s4 =	smul.u32 $0x1F50, s4  }
0xc: {  	_ =	strace $0x80000047;
	s7 =	sshrl.u32 s6, $0x3;
	s9 =	sshrl.u32 s8, $0x1  }
0xd: {  	s6 =	sadd.s32 s6, s2;
	s7 =	sadd.s32 s7, s0;
	s24 =	ssub.s32 s8, s9  }
0xe: {  	s12 =	sshrl.u32 s4, $0x3;
	s7 =	sadd.s32 $0x200, s7;
	s9 =	sadd.s32 $0x10, s4  }
0xf: {  	s11 =	sadd.s32 $0x30, s4;
	s10 =	sadd.s32 s12, s0;
	[dreg:$0x4] =	wrdreg s7  }
0x10: {  	s1 =	sadd.s32 s1, s12;
	s26 =	sadd.s32 s5, s12;
	s0 =	smax.u32 s24, $0x1  }
0x11: {  	v0 =	vlaneseq.u32;
	s24 =	simm.s32 $0x1;
	s25 =	sadd.s32 $0x13C00, s10;
	[dreg:$0x6] =	wrdreg s1  }
0x12: {  	v0 =	vmul.u32 $0x40, v0;
	s10 =	sadd.s32 $0x20, s4;
	s1 =	sadd.s32 $0x3E8, s26;
	[dreg:$0x8] =	wrdreg s0  }
0x13: {  	s0 =	sshll.u32 @!p0 s13, $0x6;
	s26 =	simm.s32 $0xFAE0;
	[dreg:$0x5] =	wrdreg s25  }
0x14: {  	v1 =	vor.u32 $0x1, v0;
	[dreg:$0x7] =	wrdreg s1;
	s0 =	sor.u32 @!p0 $0x1C09, s0;
	s25 =	simm.s32 $0xEEE0  }
0x15: {  	v2 =	vor.u32 $0x2, v0;
	v3 =	vor.u32 $0x3, v0;
	v4 =	vor.u32 $0x4, v0;
	s1 =	simm.s32 $0x3;
	[dreg:$0x9] =	wrdreg s0;
	s0 =	sshrl.u32 @!p0 s6, $0x3  }
0x16: {  	v5 =	vor.u32 $0x5, v0;
	v6 =	vor.u32 $0x6, v0;
	v7 =	vor.u32 $0x7, v0;
	s6 =	simm.s32 $0xFB10;
	[dreg:$0xa] =	wrdreg s0;
	s0 =	simm.s32 $0xE6E0  }
.LBB2_1:
0x17: {  	s7 =	rddreg [dreg:$0x4]  }
0x18: {  	s8 =	rddreg [dreg:$0x9]  }
0x19: {  	s12 =	rddreg [dreg:$0xa]  }
0x1a: {  	[spmem:s12], [sflag:s8] =	dma.local @!p0 [hbm:s7], $0x1F40  }
0x1b: {  	s8 =	simm.s32 @!p0 $0x9  }
0x1c: {  	_ =	swait.ge @!p0 [sflag:s8], $0x1F40  }
0x1d: {  	s17 =	simm.s32 $0x9;
	[sflag:s8] =	ssyncset.done @!p0 $0x0  }
0x1e: {  	s15 =	rddreg [dreg:$0x5];
	[sflag:s8] =	ssyncadd.s32 @!p0 $0xFFFFE0C0;
	s8 =	simm.s32 $0x9C40  }
0x1f: {  	[tilespmem:s8], [sflag:$0x9] =	stream.linear.gather [hbm4b:s15+s3], $0x1F50, $0x38;
	[tilespmem:$0xFB20] =	vst v63  }
0x20: {  	_ =	swait.ge [sflag:s17], $0x1F50  }
0x21: {  	[sflag:s17] =	ssyncset.done $0x0  }
0x22: {  	s13 =	simm.s32 $0xBB90;
	s15 =	rddreg [dreg:$0x6];
	[sflag:s17] =	ssyncadd.s32 $0xFFFFE0B0  }
0x23: {  	[tilespmem:s13], [sflag:$0x9] =	stream.linear.gather [hbm4b:s15+s3], $0x1F50, $0x38;
	[tilespmem:$0xFB20] =	vst v63  }
0x24: {  	_ =	swait.ge [sflag:s17], $0x1F50  }
0x25: {  	[sflag:s17] =	ssyncset.done $0x0  }
0x26: {  	[sflag:s17] =	ssyncadd.s32 $0xFFFFE0B0  }
0x27: {  	[bflag:$0x0] =	sbarrier.arrive $0xFFFF  }
0x28: {  	[tilespmem:s20], [sflag:$0x1] =	stream.indirect.gather [spmem:s2], $0x40, s8, s19, $0xb8;
	[tilespmem:$0xFB20] =	vst v63  }
0x29: {  	_ = 	snop  }
0x2a: {  	[tilespmem:s21], [sflag:$0x1] =	stream.indirect.gather [spmem:s2], $0x40, s13, s19, $0xb8;
	[tilespmem:$0xFB20] =	vst v63  }
0x2b: {  	s17 =	simm.s32 $0x9C50  }
0x2c: {  	[tilespmem:s23], [sflag:$0x2] =	stream.indirect.gather [spmem:s2], $0x40, s17, s19, $0xb8;
	[tilespmem:$0xFB20] =	vst v63  }
0x2d: {  	s8 =	simm.s32 $0xBBA0  }
0x2e: {  	[tilespmem:s25], [sflag:$0x2] =	stream.indirect.gather [spmem:s2], $0x40, s8, s19, $0xb8;
	[tilespmem:$0xFB20] =	vst v63  }
0x2f: {  	s12 =	simm.s32 $0x9C60  }
0x30: {  	[tilespmem:s28], [sflag:$0x3] =	stream.indirect.gather [spmem:s2], $0x40, s12, s19, $0xb8;
	[tilespmem:$0xFB20] =	vst v63  }
0x31: {  	s13 =	simm.s32 $0xBBB0  }
0x32: {  	[tilespmem:s30], [sflag:$0x3] =	stream.indirect.gather [spmem:s2], $0x40, s13, s19, $0xb8;
	[tilespmem:$0xFB20] =	vst v63  }
0x33: {  	s15 =	simm.s32 $0x9C70  }
0x34: {  	[tilespmem:s0], [sflag:$0x4] =	stream.indirect.gather [spmem:s2], $0x40, s15, s19, $0xb8;
	[tilespmem:$0xFB20] =	vst v63  }
0x35: {  	s17 =	simm.s32 $0xBBC0;
	s15 =	simm.s32 $0x0  }
0x36: {  	[tilespmem:s22], [sflag:$0x4] =	stream.indirect.gather [spmem:s2], $0x40, s17, s19, $0xb8;
	[tilespmem:$0xFB20] =	vst v63  }
.LBB2_2:
0x37: {  	s8 =	simm.s32 $0x0  }
0x38: {  	v8 =	vmov s8  }
0x39: {  	v8 =	vshrl.u32 v8, $0x3  }
0x3a: {  	v8 =	vshll.u32 v8, $0x3  }
0x3b: {  	v8 =	vbroadcast v8, $0x0  }
0x3c: {  	_ =	swait.ge [sflag:s24], $0x400  }
0x3d: {  	[sflag:s24] =	ssyncset.done $0x0;
	v9 =	vor.u32 v0, v8  }
0x3e: {  	[sflag:s24] =	ssyncadd.s32 $0xFFFFFC00  }
0x3f: {  	_ =	swait.ge [sflag:s24], $0x400  }
0x40: {  	[sflag:s24] =	ssyncset.done $0x0  }
0x41: {  	[sflag:s24] =	ssyncadd.s32 $0xFFFFFC00;
	v10 =	vor.u32 v1, v8  }
0x42: {  	v11 =	vld.idx.msk [tilespmem:v9+s20+$0x0], $0xffff  }
0x43: {  	v9 =	vld.idx.msk [tilespmem:v9+s21+$0x0], $0xffff;
	_ =	sdelay $0x1  }
0x44: {  	v12 =	vor.u32 v2, v8  }
0x45: {  	v13 =	vld.idx.msk [tilespmem:v10+s20+$0x0], $0xffff  }
0x46: {  	v10 =	vld.idx.msk [tilespmem:v10+s21+$0x0], $0xffff  }
0x47: {  	v9 =	vmul.bf16 v9, v11  }
0x48: {  	v11 =	vor.u32 v3, v8  }
0x49: {  	v14 =	vimm.f32 $0.0e+00;
	v15 =	vld.idx.msk [tilespmem:v12+s20+$0x0], $0xffff;
	v16 =	vunpack.i.l.bf16.f32 v9  }
0x4a: {  	v12 =	vld.idx.msk [tilespmem:v12+s21+$0x0], $0xffff;
	v14 =	vadd.f32 v16, v14  }
0x4b: {  	v10 =	vmul.bf16 v10, v13;
	v9 =	vunpack.i.u.bf16.f32 v9  }
0x4c: {  	v13 =	vor.u32 v4, v8;
	v9 =	vadd.f32 v14, v9  }
0x4d: {  	v16 =	vld.idx.msk [tilespmem:v11+s20+$0x0], $0xffff;
	v14 =	vunpack.i.l.bf16.f32 v10  }
0x4e: {  	v17 =	vld.idx.msk [tilespmem:v11+s21+$0x0], $0xffff;
	v9 =	vadd.f32 v14, v9  }
0x4f: {  	v15 =	vmul.bf16 v12, v15;
	v12 =	vor.u32 v5, v8;
	v10 =	vunpack.i.u.bf16.f32 v10  }
0x50: {  	v10 =	vadd.f32 v9, v10  }
0x51: {  	v11 =	vunpack.i.l.bf16.f32 v15;
	v9 =	vld.idx.msk [tilespmem:v13+s20+$0x0], $0xffff  }
0x52: {  	v14 =	vadd.f32 v11, v10;
	v11 =	vld.idx.msk [tilespmem:v13+s21+$0x0], $0xffff  }
0x53: {  	v15 =	vunpack.i.u.bf16.f32 v15;
	v13 =	vmul.bf16 v17, v16;
	v10 =	vor.u32 v6, v8  }
.LBB2_3:
0x54: {  	s8 =	sadd.s32 $0x8, s8;
	v14 =	vadd.f32 v14, v15;
	v15 =	vld.idx.msk [tilespmem:v12+s20+$0x0], $0xffff  }
0x55: {  	v16 =	vmov s8;
	v17 =	vunpack.i.l.bf16.f32 v13;
	v12 =	vld.idx.msk [tilespmem:v12+s21+$0x0], $0xffff  }
0x56: {  	p1 =	slt.u32 s8, $0x38;
	v16 =	vshrl.u32 v16, $0x3;
	v14 =	vadd.f32 v17, v14  }
0x57: {  	v13 =	vunpack.i.u.bf16.f32 v13;
	v9 =	vmul.bf16 v11, v9;
	v11 =	vor.u32 v7, v8  }
0x58: {  	v8 =	vshll.u32 v16, $0x3;
	v13 =	vadd.f32 v14, v13;
	v14 =	vld.idx.msk [tilespmem:v10+s20+$0x0], $0xffff  }
0x59: {  	v8 =	vbroadcast v8, $0x0;
	v16 =	vunpack.i.l.bf16.f32 v9;
	v10 =	vld.idx.msk [tilespmem:v10+s21+$0x0], $0xffff  }
0x5a: {  	v13 =	vadd.f32 v16, v13  }
0x5b: {  	v9 =	vunpack.i.u.bf16.f32 v9;
	v16 =	vor.u32 v0, v8;
	v12 =	vmul.bf16 v12, v15  }
0x5c: {  	v9 =	vadd.f32 v13, v9;
	v13 =	vld.idx.msk [tilespmem:v11+s20+$0x0], $0xffff  }
0x5d: {  	v15 =	vunpack.i.l.bf16.f32 v12;
	v11 =	vld.idx.msk [tilespmem:v11+s21+$0x0], $0xffff  }
0x5e: {  	v9 =	vadd.f32 v15, v9  }
0x5f: {  	v12 =	vunpack.i.u.bf16.f32 v12;
	v15 =	vor.u32 v1, v8;
	v10 =	vmul.bf16 v10, v14  }
0x60: {  	v14 =	vld.idx.msk [tilespmem:v16+s20+$0x0], $0xffff;
	v9 =	vadd.f32 v9, v12  }
0x61: {  	v12 =	vld.idx.msk [tilespmem:v16+s21+$0x0], $0xffff;
	v16 =	vunpack.i.l.bf16.f32 v10  }
0x62: {  	v9 =	vadd.f32 v16, v9  }
0x63: {  	v10 =	vunpack.i.u.bf16.f32 v10;
	v16 =	vor.u32 v2, v8;
	v11 =	vmul.bf16 v11, v13  }
0x64: {  	v13 =	vld.idx.msk [tilespmem:v15+s20+$0x0], $0xffff;
	v9 =	vadd.f32 v9, v10  }
0x65: {  	v10 =	vld.idx.msk [tilespmem:v15+s21+$0x0], $0xffff;
	v15 =	vunpack.i.l.bf16.f32 v11  }
0x66: {  	v9 =	vadd.f32 v15, v9  }
0x67: {  	v11 =	vunpack.i.u.bf16.f32 v11;
	v12 =	vmul.bf16 v12, v14;
	v14 =	vor.u32 v3, v8  }
0x68: {  	v15 =	vld.idx.msk [tilespmem:v16+s20+$0x0], $0xffff;
	v9 =	vadd.f32 v9, v11  }
0x69: {  	v11 =	vunpack.i.l.bf16.f32 v12;
	v16 =	vld.idx.msk [tilespmem:v16+s21+$0x0], $0xffff  }
0x6a: {  	v9 =	vadd.f32 v11, v9  }
0x6b: {  	v11 =	vunpack.i.u.bf16.f32 v12;
	v10 =	vmul.bf16 v10, v13;
	v13 =	vor.u32 v4, v8  }
0x6c: {  	v9 =	vadd.f32 v9, v11;
	v17 =	vld.idx.msk [tilespmem:v14+s20+$0x0], $0xffff  }
0x6d: {  	v11 =	vunpack.i.l.bf16.f32 v10;
	v18 =	vld.idx.msk [tilespmem:v14+s21+$0x0], $0xffff  }
0x6e: {  	v9 =	vadd.f32 v11, v9  }
.Ltmp0:
0x6f: {  	v12 =	vor.u32 v5, v8;
	v10 =	vunpack.i.u.bf16.f32 v10;
	v15 =	vmul.bf16 v16, v15;
	(pc) =	sbr.rel @p1 .LBB2_3-.Ltmp0, $4  }
0x70: {  	v10 =	vadd.f32 v9, v10;
	v9 =	vld.idx.msk [tilespmem:v13+s20+$0x0], $0xffff  }
0x71: {  	v14 =	vunpack.i.l.bf16.f32 v15;
	v11 =	vld.idx.msk [tilespmem:v13+s21+$0x0], $0xffff  }
0x72: {  	v14 =	vadd.f32 v14, v10  }
0x73: {  	v15 =	vunpack.i.u.bf16.f32 v15;
	v13 =	vmul.bf16 v18, v17;
	v10 =	vor.u32 v6, v8  }
0x74: {  	_ =	sdelay $0x2  }
0x75: {  	v14 =	vadd.f32 v14, v15  }
0x76: {  	v15 =	vld.idx.msk [tilespmem:v12+s20+$0x0], $0xffff;
	v16 =	vunpack.i.l.bf16.f32 v13  }
0x77: {  	v12 =	vld.idx.msk [tilespmem:v12+s21+$0x0], $0xffff;
	v14 =	vadd.f32 v16, v14  }
0x78: {  	v13 =	vunpack.i.u.bf16.f32 v13;
	v9 =	vmul.bf16 v11, v9  }
0x79: {  	v8 =	vor.u32 v7, v8;
	v11 =	vadd.f32 v14, v13  }
0x7a: {  	v13 =	vld.idx.msk [tilespmem:v10+s20+$0x0], $0xffff;
	v14 =	vunpack.i.l.bf16.f32 v9  }
0x7b: {  	v10 =	vld.idx.msk [tilespmem:v10+s21+$0x0], $0xffff;
	v11 =	vadd.f32 v14, v11  }
0x7c: {  	v9 =	vunpack.i.u.bf16.f32 v9;
	v12 =	vmul.bf16 v12, v15  }
0x7d: {  	v9 =	vadd.f32 v11, v9  }
0x7e: {  	v14 =	vunpack.i.l.bf16.f32 v12;
	v11 =	vld.idx.msk [tilespmem:v8+s20+$0x0], $0xffff  }
0x7f: {  	v8 =	vld.idx.msk [tilespmem:v8+s21+$0x0], $0xffff;
	v9 =	vadd.f32 v14, v9  }
0x80: {  	v12 =	vunpack.i.u.bf16.f32 v12;
	v10 =	vmul.bf16 v10, v13  }
0x81: {  	v9 =	vadd.f32 v9, v12  }
0x82: {  	v12 =	vunpack.i.l.bf16.f32 v10  }
0x83: {  	v9 =	vadd.f32 v12, v9  }
0x84: {  	v10 =	vunpack.i.u.bf16.f32 v10;
	v8 =	vmul.bf16 v8, v11  }
0x85: {  	v9 =	vadd.f32 v9, v10  }
0x86: {  	p1 =	seq.s32 s15, $0x0;
	v10 =	vunpack.i.l.bf16.f32 v8  }
0x87: {  	s12 =	simm.s32 @!p1 $0x5;
	v9 =	vadd.f32 v10, v9  }
0x88: {  	s8 =	sshll.u32 s15, $0x6;
	_ =	swait.ge @!p1 [sflag:s12], $0x10;
	v8 =	vunpack.i.u.bf16.f32 v8  }
0x89: {  	s13 =	sadd.s32 s4, s8;
	[sflag:s12] =	ssyncset.done @!p1 $0x0;
	v8 =	vadd.f32 v9, v8  }
0x8a: {  	s17 =	sshrl.u32 s13, $0x3;
	[sflag:s12] =	ssyncadd.s32 @!p1 $0xFFFFFFF0  }
0x8b: {  	s12 =	sadd.s32 s5, s17;
	[tilespmem:$0xFAE0] =	vst v8  }
0x8c: {  	[hbm4b:s12+s3] =	stream.linear.scatter [tilespmem:s26], [sflag:$0x5], $0x10, $0x38;
	[tilespmem:$0xFB20] =	vst v63  }
0x8d: {  	s12 =	simm.s32 $0x0  }
0x8e: {  	s7 =	sadd.s32 $0x9C80, s8;
	v8 =	vmov s12  }
0x8f: {  	[tilespmem:s20], [sflag:$0x1] =	stream.indirect.gather [spmem:s2], $0x40, s7, s19, $0xb8;
	v8 =	vshrl.u32 v8, $0x3;
	[tilespmem:$0xFB20] =	vst v63  }
0x90: {  	s17 =	sadd.s32 $0xBBD0, s8;
	v8 =	vshll.u32 v8, $0x3  }
0x91: {  	[tilespmem:s21], [sflag:$0x1] =	stream.indirect.gather [spmem:s2], $0x40, s17, s19, $0xb8;
	v8 =	vbroadcast v8, $0x0;
	[tilespmem:$0xFB20] =	vst v63  }
0x92: {  	_ =	swait.ge [sflag:s29], $0x400  }
0x93: {  	[sflag:s29] =	ssyncset.done $0x0;
	v9 =	vor.u32 v0, v8  }
0x94: {  	[sflag:s29] =	ssyncadd.s32 $0xFFFFFC00  }
0x95: {  	_ =	swait.ge [sflag:s29], $0x400  }
0x96: {  	[sflag:s29] =	ssyncset.done $0x0  }
0x97: {  	v10 =	vor.u32 v1, v8;
	[sflag:s29] =	ssyncadd.s32 $0xFFFFFC00  }
0x98: {  	v11 =	vld.idx.msk [tilespmem:v9+s23+$0x0], $0xffff  }
0x99: {  	v9 =	vld.idx.msk [tilespmem:v9+s25+$0x0], $0xffff;
	_ =	sdelay $0x1  }
0x9a: {  	v12 =	vor.u32 v2, v8  }
0x9b: {  	v13 =	vld.idx.msk [tilespmem:v10+s23+$0x0], $0xffff  }
0x9c: {  	v10 =	vld.idx.msk [tilespmem:v10+s25+$0x0], $0xffff  }
0x9d: {  	v9 =	vmul.bf16 v9, v11  }
0x9e: {  	v11 =	vor.u32 v3, v8  }
0x9f: {  	v14 =	vimm.f32 $0.0e+00;
	v15 =	vld.idx.msk [tilespmem:v12+s23+$0x0], $0xffff;
	v16 =	vunpack.i.l.bf16.f32 v9  }
0xa0: {  	v12 =	vld.idx.msk [tilespmem:v12+s25+$0x0], $0xffff;
	v14 =	vadd.f32 v16, v14  }
0xa1: {  	v10 =	vmul.bf16 v10, v13;
	v9 =	vunpack.i.u.bf16.f32 v9  }
0xa2: {  	v13 =	vor.u32 v4, v8;
	v9 =	vadd.f32 v14, v9  }
0xa3: {  	v16 =	vld.idx.msk [tilespmem:v11+s23+$0x0], $0xffff;
	v14 =	vunpack.i.l.bf16.f32 v10  }
0xa4: {  	v17 =	vld.idx.msk [tilespmem:v11+s25+$0x0], $0xffff;
	v9 =	vadd.f32 v14, v9  }
0xa5: {  	v15 =	vmul.bf16 v12, v15;
	v12 =	vor.u32 v5, v8;
	v10 =	vunpack.i.u.bf16.f32 v10  }
0xa6: {  	v10 =	vadd.f32 v9, v10  }
0xa7: {  	v11 =	vunpack.i.l.bf16.f32 v15;
	v9 =	vld.idx.msk [tilespmem:v13+s23+$0x0], $0xffff  }
0xa8: {  	v14 =	vadd.f32 v11, v10;
	v11 =	vld.idx.msk [tilespmem:v13+s25+$0x0], $0xffff  }
0xa9: {  	v15 =	vunpack.i.u.bf16.f32 v15;
	v13 =	vmul.bf16 v17, v16;
	v10 =	vor.u32 v6, v8  }
.LBB2_5:
0xaa: {  	s12 =	sadd.s32 $0x8, s12;
	v14 =	vadd.f32 v14, v15;
	v15 =	vld.idx.msk [tilespmem:v12+s23+$0x0], $0xffff  }
0xab: {  	v16 =	vmov s12;
	v17 =	vunpack.i.l.bf16.f32 v13;
	v12 =	vld.idx.msk [tilespmem:v12+s25+$0x0], $0xffff  }
0xac: {  	p2 =	slt.u32 s12, $0x38;
	v16 =	vshrl.u32 v16, $0x3;
	v14 =	vadd.f32 v17, v14  }
0xad: {  	v13 =	vunpack.i.u.bf16.f32 v13;
	v9 =	vmul.bf16 v11, v9;
	v11 =	vor.u32 v7, v8  }
0xae: {  	v8 =	vshll.u32 v16, $0x3;
	v13 =	vadd.f32 v14, v13;
	v14 =	vld.idx.msk [tilespmem:v10+s23+$0x0], $0xffff  }
0xaf: {  	v8 =	vbroadcast v8, $0x0;
	v16 =	vunpack.i.l.bf16.f32 v9;
	v10 =	vld.idx.msk [tilespmem:v10+s25+$0x0], $0xffff  }
0xb0: {  	v13 =	vadd.f32 v16, v13  }
0xb1: {  	v9 =	vunpack.i.u.bf16.f32 v9;
	v16 =	vor.u32 v0, v8;
	v12 =	vmul.bf16 v12, v15  }
0xb2: {  	v9 =	vadd.f32 v13, v9;
	v13 =	vld.idx.msk [tilespmem:v11+s23+$0x0], $0xffff  }
0xb3: {  	v15 =	vunpack.i.l.bf16.f32 v12;
	v11 =	vld.idx.msk [tilespmem:v11+s25+$0x0], $0xffff  }
0xb4: {  	v9 =	vadd.f32 v15, v9  }
0xb5: {  	v12 =	vunpack.i.u.bf16.f32 v12;
	v15 =	vor.u32 v1, v8;
	v10 =	vmul.bf16 v10, v14  }
0xb6: {  	v14 =	vld.idx.msk [tilespmem:v16+s23+$0x0], $0xffff;
	v9 =	vadd.f32 v9, v12  }
0xb7: {  	v12 =	vld.idx.msk [tilespmem:v16+s25+$0x0], $0xffff;
	v16 =	vunpack.i.l.bf16.f32 v10  }
0xb8: {  	v9 =	vadd.f32 v16, v9  }
0xb9: {  	v10 =	vunpack.i.u.bf16.f32 v10;
	v16 =	vor.u32 v2, v8;
	v11 =	vmul.bf16 v11, v13  }
0xba: {  	v13 =	vld.idx.msk [tilespmem:v15+s23+$0x0], $0xffff;
	v9 =	vadd.f32 v9, v10  }
0xbb: {  	v10 =	vld.idx.msk [tilespmem:v15+s25+$0x0], $0xffff;
	v15 =	vunpack.i.l.bf16.f32 v11  }
0xbc: {  	v9 =	vadd.f32 v15, v9  }
0xbd: {  	v11 =	vunpack.i.u.bf16.f32 v11;
	v12 =	vmul.bf16 v12, v14;
	v14 =	vor.u32 v3, v8  }
0xbe: {  	v15 =	vld.idx.msk [tilespmem:v16+s23+$0x0], $0xffff;
	v9 =	vadd.f32 v9, v11  }
0xbf: {  	v11 =	vunpack.i.l.bf16.f32 v12;
	v16 =	vld.idx.msk [tilespmem:v16+s25+$0x0], $0xffff  }
0xc0: {  	v9 =	vadd.f32 v11, v9  }
0xc1: {  	v11 =	vunpack.i.u.bf16.f32 v12;
	v10 =	vmul.bf16 v10, v13;
	v13 =	vor.u32 v4, v8  }
0xc2: {  	v9 =	vadd.f32 v9, v11;
	v17 =	vld.idx.msk [tilespmem:v14+s23+$0x0], $0xffff  }
0xc3: {  	v11 =	vunpack.i.l.bf16.f32 v10;
	v18 =	vld.idx.msk [tilespmem:v14+s25+$0x0], $0xffff  }
0xc4: {  	v9 =	vadd.f32 v11, v9  }
.Ltmp1:
0xc5: {  	v12 =	vor.u32 v5, v8;
	v10 =	vunpack.i.u.bf16.f32 v10;
	v15 =	vmul.bf16 v16, v15;
	(pc) =	sbr.rel @p2 .LBB2_5-.Ltmp1, $4  }
0xc6: {  	v10 =	vadd.f32 v9, v10;
	v9 =	vld.idx.msk [tilespmem:v13+s23+$0x0], $0xffff  }
0xc7: {  	v14 =	vunpack.i.l.bf16.f32 v15;
	v11 =	vld.idx.msk [tilespmem:v13+s25+$0x0], $0xffff  }
0xc8: {  	v14 =	vadd.f32 v14, v10  }
0xc9: {  	v15 =	vunpack.i.u.bf16.f32 v15;
	v13 =	vmul.bf16 v18, v17;
	v10 =	vor.u32 v6, v8  }
0xca: {  	_ =	sdelay $0x2  }
0xcb: {  	v14 =	vadd.f32 v14, v15  }
0xcc: {  	v15 =	vld.idx.msk [tilespmem:v12+s23+$0x0], $0xffff;
	v16 =	vunpack.i.l.bf16.f32 v13  }
0xcd: {  	v12 =	vld.idx.msk [tilespmem:v12+s25+$0x0], $0xffff;
	v14 =	vadd.f32 v16, v14  }
0xce: {  	v13 =	vunpack.i.u.bf16.f32 v13;
	v9 =	vmul.bf16 v11, v9  }
0xcf: {  	v8 =	vor.u32 v7, v8;
	v11 =	vadd.f32 v14, v13  }
0xd0: {  	v13 =	vld.idx.msk [tilespmem:v10+s23+$0x0], $0xffff;
	v14 =	vunpack.i.l.bf16.f32 v9  }
0xd1: {  	v10 =	vld.idx.msk [tilespmem:v10+s25+$0x0], $0xffff;
	v11 =	vadd.f32 v14, v11  }
0xd2: {  	v9 =	vunpack.i.u.bf16.f32 v9;
	v12 =	vmul.bf16 v12, v15  }
0xd3: {  	v9 =	vadd.f32 v11, v9  }
0xd4: {  	v14 =	vunpack.i.l.bf16.f32 v12;
	v11 =	vld.idx.msk [tilespmem:v8+s23+$0x0], $0xffff  }
0xd5: {  	v8 =	vld.idx.msk [tilespmem:v8+s25+$0x0], $0xffff;
	v9 =	vadd.f32 v14, v9  }
0xd6: {  	v12 =	vunpack.i.u.bf16.f32 v12;
	v10 =	vmul.bf16 v10, v13  }
0xd7: {  	v9 =	vadd.f32 v9, v12  }
0xd8: {  	v12 =	vunpack.i.l.bf16.f32 v10  }
0xd9: {  	v9 =	vadd.f32 v12, v9  }
0xda: {  	v10 =	vunpack.i.u.bf16.f32 v10;
	v8 =	vmul.bf16 v8, v11  }
0xdb: {  	v9 =	vadd.f32 v9, v10  }
0xdc: {  	v10 =	vunpack.i.l.bf16.f32 v8  }
0xdd: {  	s12 =	simm.s32 @!p1 $0x6;
	v9 =	vadd.f32 v10, v9  }
0xde: {  	_ =	swait.ge @!p1 [sflag:s12], $0x10;
	v8 =	vunpack.i.u.bf16.f32 v8  }
0xdf: {  	s13 =	sadd.s32 s8, s9;
	[sflag:s12] =	ssyncset.done @!p1 $0x0;
	v8 =	vadd.f32 v9, v8  }
0xe0: {  	s17 =	sshrl.u32 s13, $0x3;
	[sflag:s12] =	ssyncadd.s32 @!p1 $0xFFFFFFF0  }
0xe1: {  	s12 =	sadd.s32 s5, s17;
	[tilespmem:$0xFAF0] =	vst v8  }
0xe2: {  	[hbm4b:s12+s3] =	stream.linear.scatter [tilespmem:s31], [sflag:$0x6], $0x10, $0x38;
	[tilespmem:$0xFB20] =	vst v63  }
0xe3: {  	p2 =	seq.s32 s15, $0x7C;
	s12 =	simm.s32 $0x0  }
0xe4: {  	s13 =	sadd.s32 @!p2 $0x9C90, s8;
	s7 =	simm.s32 @!p2 $0xDEE0;
	s17 =	simm.s32 @!p2 $0x10;
	v8 =	vmov s12  }
0xe5: {  	[tilespmem:s7], [sflag:$0x2] =	stream.indirect.gather @!p2 [spmem:s2], $0x40, s13, s17, $0xb8;
	v8 =	vshrl.u32 v8, $0x3;
	[tilespmem:$0xFB20] =	vst v63  }
0xe6: {  	s7 =	sadd.s32 @!p2 $0xBBE0, s8;
	s13 =	simm.s32 @!p2 $0xEEE0;
	v8 =	vshll.u32 v8, $0x3  }
0xe7: {  	[tilespmem:s13], [sflag:$0x2] =	stream.indirect.gather @!p2 [spmem:s2], $0x40, s7, s17, $0xb8;
	v8 =	vbroadcast v8, $0x0;
	[tilespmem:$0xFB20] =	vst v63  }
0xe8: {  	_ =	swait.ge [sflag:s1], $0x400  }
0xe9: {  	[sflag:s1] =	ssyncset.done $0x0;
	v9 =	vor.u32 v0, v8  }
0xea: {  	[sflag:s1] =	ssyncadd.s32 $0xFFFFFC00  }
0xeb: {  	_ =	swait.ge [sflag:s1], $0x400  }
0xec: {  	[sflag:s1] =	ssyncset.done $0x0  }
0xed: {  	v10 =	vor.u32 v1, v8;
	[sflag:s1] =	ssyncadd.s32 $0xFFFFFC00  }
0xee: {  	v11 =	vld.idx.msk [tilespmem:v9+s28+$0x0], $0xffff  }
0xef: {  	v9 =	vld.idx.msk [tilespmem:v9+s30+$0x0], $0xffff;
	_ =	sdelay $0x1  }
0xf0: {  	v12 =	vor.u32 v2, v8  }
0xf1: {  	v13 =	vld.idx.msk [tilespmem:v10+s28+$0x0], $0xffff  }
0xf2: {  	v10 =	vld.idx.msk [tilespmem:v10+s30+$0x0], $0xffff  }
0xf3: {  	v9 =	vmul.bf16 v9, v11  }
0xf4: {  	v11 =	vor.u32 v3, v8  }
0xf5: {  	v14 =	vimm.f32 $0.0e+00;
	v15 =	vld.idx.msk [tilespmem:v12+s28+$0x0], $0xffff;
	v16 =	vunpack.i.l.bf16.f32 v9  }
0xf6: {  	v12 =	vld.idx.msk [tilespmem:v12+s30+$0x0], $0xffff;
	v14 =	vadd.f32 v16, v14  }
0xf7: {  	v10 =	vmul.bf16 v10, v13;
	v9 =	vunpack.i.u.bf16.f32 v9  }
0xf8: {  	v13 =	vor.u32 v4, v8;
	v9 =	vadd.f32 v14, v9  }
0xf9: {  	v16 =	vld.idx.msk [tilespmem:v11+s28+$0x0], $0xffff;
	v14 =	vunpack.i.l.bf16.f32 v10  }
0xfa: {  	v17 =	vld.idx.msk [tilespmem:v11+s30+$0x0], $0xffff;
	v9 =	vadd.f32 v14, v9  }
0xfb: {  	v15 =	vmul.bf16 v12, v15;
	v12 =	vor.u32 v5, v8;
	v10 =	vunpack.i.u.bf16.f32 v10  }
0xfc: {  	v10 =	vadd.f32 v9, v10  }
0xfd: {  	v11 =	vunpack.i.l.bf16.f32 v15;
	v9 =	vld.idx.msk [tilespmem:v13+s28+$0x0], $0xffff  }
0xfe: {  	v14 =	vadd.f32 v11, v10;
	v11 =	vld.idx.msk [tilespmem:v13+s30+$0x0], $0xffff  }
0xff: {  	v15 =	vunpack.i.u.bf16.f32 v15;
	v13 =	vmul.bf16 v17, v16;
	v10 =	vor.u32 v6, v8  }
.LBB2_7:
0x100: {  	s12 =	sadd.s32 $0x8, s12;
	v14 =	vadd.f32 v14, v15;
	v15 =	vld.idx.msk [tilespmem:v12+s28+$0x0], $0xffff  }
0x101: {  	v16 =	vmov s12;
	v17 =	vunpack.i.l.bf16.f32 v13;
	v12 =	vld.idx.msk [tilespmem:v12+s30+$0x0], $0xffff  }
0x102: {  	p3 =	slt.u32 s12, $0x38;
	v16 =	vshrl.u32 v16, $0x3;
	v14 =	vadd.f32 v17, v14  }
0x103: {  	v13 =	vunpack.i.u.bf16.f32 v13;
	v9 =	vmul.bf16 v11, v9;
	v11 =	vor.u32 v7, v8  }
0x104: {  	v8 =	vshll.u32 v16, $0x3;
	v13 =	vadd.f32 v14, v13;
	v14 =	vld.idx.msk [tilespmem:v10+s28+$0x0], $0xffff  }
0x105: {  	v8 =	vbroadcast v8, $0x0;
	v16 =	vunpack.i.l.bf16.f32 v9;
	v10 =	vld.idx.msk [tilespmem:v10+s30+$0x0], $0xffff  }
0x106: {  	v13 =	vadd.f32 v16, v13  }
0x107: {  	v9 =	vunpack.i.u.bf16.f32 v9;
	v16 =	vor.u32 v0, v8;
	v12 =	vmul.bf16 v12, v15  }
0x108: {  	v9 =	vadd.f32 v13, v9;
	v13 =	vld.idx.msk [tilespmem:v11+s28+$0x0], $0xffff  }
0x109: {  	v15 =	vunpack.i.l.bf16.f32 v12;
	v11 =	vld.idx.msk [tilespmem:v11+s30+$0x0], $0xffff  }
0x10a: {  	v9 =	vadd.f32 v15, v9  }
0x10b: {  	v12 =	vunpack.i.u.bf16.f32 v12;
	v15 =	vor.u32 v1, v8;
	v10 =	vmul.bf16 v10, v14  }
0x10c: {  	v14 =	vld.idx.msk [tilespmem:v16+s28+$0x0], $0xffff;
	v9 =	vadd.f32 v9, v12  }
0x10d: {  	v12 =	vld.idx.msk [tilespmem:v16+s30+$0x0], $0xffff;
	v16 =	vunpack.i.l.bf16.f32 v10  }
0x10e: {  	v9 =	vadd.f32 v16, v9  }
0x10f: {  	v10 =	vunpack.i.u.bf16.f32 v10;
	v16 =	vor.u32 v2, v8;
	v11 =	vmul.bf16 v11, v13  }
0x110: {  	v13 =	vld.idx.msk [tilespmem:v15+s28+$0x0], $0xffff;
	v9 =	vadd.f32 v9, v10  }
0x111: {  	v10 =	vld.idx.msk [tilespmem:v15+s30+$0x0], $0xffff;
	v15 =	vunpack.i.l.bf16.f32 v11  }
0x112: {  	v9 =	vadd.f32 v15, v9  }
0x113: {  	v11 =	vunpack.i.u.bf16.f32 v11;
	v12 =	vmul.bf16 v12, v14;
	v14 =	vor.u32 v3, v8  }
0x114: {  	v15 =	vld.idx.msk [tilespmem:v16+s28+$0x0], $0xffff;
	v9 =	vadd.f32 v9, v11  }
0x115: {  	v11 =	vunpack.i.l.bf16.f32 v12;
	v16 =	vld.idx.msk [tilespmem:v16+s30+$0x0], $0xffff  }
0x116: {  	v9 =	vadd.f32 v11, v9  }
0x117: {  	v11 =	vunpack.i.u.bf16.f32 v12;
	v10 =	vmul.bf16 v10, v13;
	v13 =	vor.u32 v4, v8  }
0x118: {  	v9 =	vadd.f32 v9, v11;
	v17 =	vld.idx.msk [tilespmem:v14+s28+$0x0], $0xffff  }
0x119: {  	v11 =	vunpack.i.l.bf16.f32 v10;
	v18 =	vld.idx.msk [tilespmem:v14+s30+$0x0], $0xffff  }
0x11a: {  	v9 =	vadd.f32 v11, v9  }
.Ltmp2:
0x11b: {  	v12 =	vor.u32 v5, v8;
	v10 =	vunpack.i.u.bf16.f32 v10;
	v15 =	vmul.bf16 v16, v15;
	(pc) =	sbr.rel @p3 .LBB2_7-.Ltmp2, $4  }
0x11c: {  	v10 =	vadd.f32 v9, v10;
	v9 =	vld.idx.msk [tilespmem:v13+s28+$0x0], $0xffff  }
0x11d: {  	v14 =	vunpack.i.l.bf16.f32 v15;
	v11 =	vld.idx.msk [tilespmem:v13+s30+$0x0], $0xffff  }
0x11e: {  	v14 =	vadd.f32 v14, v10  }
0x11f: {  	v15 =	vunpack.i.u.bf16.f32 v15;
	v13 =	vmul.bf16 v18, v17;
	v10 =	vor.u32 v6, v8  }
0x120: {  	_ =	sdelay $0x2  }
0x121: {  	v14 =	vadd.f32 v14, v15  }
0x122: {  	v15 =	vld.idx.msk [tilespmem:v12+s28+$0x0], $0xffff;
	v16 =	vunpack.i.l.bf16.f32 v13  }
0x123: {  	v12 =	vld.idx.msk [tilespmem:v12+s30+$0x0], $0xffff;
	v14 =	vadd.f32 v16, v14  }
0x124: {  	v13 =	vunpack.i.u.bf16.f32 v13;
	v9 =	vmul.bf16 v11, v9  }
0x125: {  	v8 =	vor.u32 v7, v8;
	v11 =	vadd.f32 v14, v13  }
0x126: {  	v13 =	vld.idx.msk [tilespmem:v10+s28+$0x0], $0xffff;
	v14 =	vunpack.i.l.bf16.f32 v9  }
0x127: {  	v10 =	vld.idx.msk [tilespmem:v10+s30+$0x0], $0xffff;
	v11 =	vadd.f32 v14, v11  }
0x128: {  	v9 =	vunpack.i.u.bf16.f32 v9;
	v12 =	vmul.bf16 v12, v15  }
0x129: {  	v9 =	vadd.f32 v11, v9  }
0x12a: {  	v14 =	vunpack.i.l.bf16.f32 v12;
	v11 =	vld.idx.msk [tilespmem:v8+s28+$0x0], $0xffff  }
0x12b: {  	v8 =	vld.idx.msk [tilespmem:v8+s30+$0x0], $0xffff;
	v9 =	vadd.f32 v14, v9  }
0x12c: {  	v12 =	vunpack.i.u.bf16.f32 v12;
	v10 =	vmul.bf16 v10, v13  }
0x12d: {  	v9 =	vadd.f32 v9, v12  }
0x12e: {  	v12 =	vunpack.i.l.bf16.f32 v10  }
0x12f: {  	v9 =	vadd.f32 v12, v9  }
0x130: {  	v10 =	vunpack.i.u.bf16.f32 v10;
	v8 =	vmul.bf16 v8, v11  }
0x131: {  	v9 =	vadd.f32 v9, v10  }
0x132: {  	v10 =	vunpack.i.l.bf16.f32 v8  }
0x133: {  	s7 =	simm.s32 @!p1 $0x7;
	v9 =	vadd.f32 v10, v9  }
0x134: {  	_ =	swait.ge @!p1 [sflag:s7], $0x10;
	v8 =	vunpack.i.u.bf16.f32 v8  }
0x135: {  	s12 =	sadd.s32 s8, s10;
	[sflag:s7] =	ssyncset.done @!p1 $0x0;
	v8 =	vadd.f32 v9, v8  }
0x136: {  	s17 =	sshrl.u32 s12, $0x3;
	[sflag:s7] =	ssyncadd.s32 @!p1 $0xFFFFFFF0  }
0x137: {  	s12 =	simm.s32 $0x0;
	s7 =	sadd.s32 s5, s17;
	[tilespmem:$0xFB00] =	vst v8  }
0x138: {  	[hbm4b:s7+s3] =	stream.linear.scatter [tilespmem:s16], [sflag:$0x7], $0x10, $0x38;
	[tilespmem:$0xFB20] =	vst v63  }
0x139: {  	s13 =	simm.s32 @!p2 $0x10;
	s17 =	simm.s32 @!p2 $0xE2E0;
	v8 =	vmov s12;
	s7 =	sadd.s32 @!p2 $0x9CA0, s8  }
0x13a: {  	v8 =	vshrl.u32 v8, $0x3;
	[tilespmem:s17], [sflag:$0x3] =	stream.indirect.gather @!p2 [spmem:s2], $0x40, s7, s13, $0xb8;
	[tilespmem:$0xFB20] =	vst v63  }
0x13b: {  	v8 =	vshll.u32 v8, $0x3;
	s7 =	sadd.s32 @!p2 $0xBBF0, s8;
	s17 =	simm.s32 @!p2 $0xF2E0  }
0x13c: {  	v8 =	vbroadcast v8, $0x0;
	[tilespmem:s17], [sflag:$0x3] =	stream.indirect.gather @!p2 [spmem:s2], $0x40, s7, s13, $0xb8;
	[tilespmem:$0xFB20] =	vst v63  }
0x13d: {  	_ =	swait.ge [sflag:s18], $0x400  }
0x13e: {  	v9 =	vor.u32 v0, v8;
	[sflag:s18] =	ssyncset.done $0x0  }
0x13f: {  	[sflag:s18] =	ssyncadd.s32 $0xFFFFFC00  }
0x140: {  	_ =	swait.ge [sflag:s18], $0x400  }
0x141: {  	[sflag:s18] =	ssyncset.done $0x0  }
0x142: {  	v10 =	vor.u32 v1, v8;
	[sflag:s18] =	ssyncadd.s32 $0xFFFFFC00  }
0x143: {  	v11 =	vld.idx.msk [tilespmem:v9+s0+$0x0], $0xffff  }
0x144: {  	v9 =	vld.idx.msk [tilespmem:v9+s22+$0x0], $0xffff;
	_ =	sdelay $0x1  }
0x145: {  	v12 =	vor.u32 v2, v8  }
0x146: {  	v13 =	vld.idx.msk [tilespmem:v10+s0+$0x0], $0xffff  }
0x147: {  	v10 =	vld.idx.msk [tilespmem:v10+s22+$0x0], $0xffff  }
0x148: {  	v9 =	vmul.bf16 v9, v11  }
0x149: {  	v11 =	vor.u32 v3, v8  }
0x14a: {  	v14 =	vimm.f32 $0.0e+00;
	v15 =	vld.idx.msk [tilespmem:v12+s0+$0x0], $0xffff;
	v16 =	vunpack.i.l.bf16.f32 v9  }
0x14b: {  	v12 =	vld.idx.msk [tilespmem:v12+s22+$0x0], $0xffff;
	v14 =	vadd.f32 v16, v14  }
0x14c: {  	v10 =	vmul.bf16 v10, v13;
	v9 =	vunpack.i.u.bf16.f32 v9  }
0x14d: {  	v13 =	vor.u32 v4, v8;
	v9 =	vadd.f32 v14, v9  }
0x14e: {  	v16 =	vld.idx.msk [tilespmem:v11+s0+$0x0], $0xffff;
	v14 =	vunpack.i.l.bf16.f32 v10  }
0x14f: {  	v17 =	vld.idx.msk [tilespmem:v11+s22+$0x0], $0xffff;
	v9 =	vadd.f32 v14, v9  }
0x150: {  	v15 =	vmul.bf16 v12, v15;
	v12 =	vor.u32 v5, v8;
	v10 =	vunpack.i.u.bf16.f32 v10  }
0x151: {  	v10 =	vadd.f32 v9, v10  }
0x152: {  	v11 =	vunpack.i.l.bf16.f32 v15;
	v9 =	vld.idx.msk [tilespmem:v13+s0+$0x0], $0xffff  }
0x153: {  	v14 =	vadd.f32 v11, v10;
	v11 =	vld.idx.msk [tilespmem:v13+s22+$0x0], $0xffff  }
0x154: {  	v15 =	vunpack.i.u.bf16.f32 v15;
	v13 =	vmul.bf16 v17, v16;
	v10 =	vor.u32 v6, v8  }
.LBB2_9:
0x155: {  	s12 =	sadd.s32 $0x8, s12;
	v14 =	vadd.f32 v14, v15;
	v15 =	vld.idx.msk [tilespmem:v12+s0+$0x0], $0xffff  }
0x156: {  	v16 =	vmov s12;
	v17 =	vunpack.i.l.bf16.f32 v13;
	v12 =	vld.idx.msk [tilespmem:v12+s22+$0x0], $0xffff  }
0x157: {  	p3 =	slt.u32 s12, $0x38;
	v16 =	vshrl.u32 v16, $0x3;
	v14 =	vadd.f32 v17, v14  }
0x158: {  	v13 =	vunpack.i.u.bf16.f32 v13;
	v9 =	vmul.bf16 v11, v9;
	v11 =	vor.u32 v7, v8  }
0x159: {  	v8 =	vshll.u32 v16, $0x3;
	v13 =	vadd.f32 v14, v13;
	v14 =	vld.idx.msk [tilespmem:v10+s0+$0x0], $0xffff  }
0x15a: {  	v8 =	vbroadcast v8, $0x0;
	v16 =	vunpack.i.l.bf16.f32 v9;
	v10 =	vld.idx.msk [tilespmem:v10+s22+$0x0], $0xffff  }
0x15b: {  	v13 =	vadd.f32 v16, v13  }
0x15c: {  	v9 =	vunpack.i.u.bf16.f32 v9;
	v16 =	vor.u32 v0, v8;
	v12 =	vmul.bf16 v12, v15  }
0x15d: {  	v9 =	vadd.f32 v13, v9;
	v13 =	vld.idx.msk [tilespmem:v11+s0+$0x0], $0xffff  }
0x15e: {  	v15 =	vunpack.i.l.bf16.f32 v12;
	v11 =	vld.idx.msk [tilespmem:v11+s22+$0x0], $0xffff  }
0x15f: {  	v9 =	vadd.f32 v15, v9  }
0x160: {  	v12 =	vunpack.i.u.bf16.f32 v12;
	v15 =	vor.u32 v1, v8;
	v10 =	vmul.bf16 v10, v14  }
0x161: {  	v14 =	vld.idx.msk [tilespmem:v16+s0+$0x0], $0xffff;
	v9 =	vadd.f32 v9, v12  }
0x162: {  	v12 =	vld.idx.msk [tilespmem:v16+s22+$0x0], $0xffff;
	v16 =	vunpack.i.l.bf16.f32 v10  }
0x163: {  	v9 =	vadd.f32 v16, v9  }
0x164: {  	v10 =	vunpack.i.u.bf16.f32 v10;
	v16 =	vor.u32 v2, v8;
	v11 =	vmul.bf16 v11, v13  }
0x165: {  	v13 =	vld.idx.msk [tilespmem:v15+s0+$0x0], $0xffff;
	v9 =	vadd.f32 v9, v10  }
0x166: {  	v10 =	vld.idx.msk [tilespmem:v15+s22+$0x0], $0xffff;
	v15 =	vunpack.i.l.bf16.f32 v11  }
0x167: {  	v9 =	vadd.f32 v15, v9  }
0x168: {  	v11 =	vunpack.i.u.bf16.f32 v11;
	v12 =	vmul.bf16 v12, v14;
	v14 =	vor.u32 v3, v8  }
0x169: {  	v15 =	vld.idx.msk [tilespmem:v16+s0+$0x0], $0xffff;
	v9 =	vadd.f32 v9, v11  }
0x16a: {  	v11 =	vunpack.i.l.bf16.f32 v12;
	v16 =	vld.idx.msk [tilespmem:v16+s22+$0x0], $0xffff  }
0x16b: {  	v9 =	vadd.f32 v11, v9  }
0x16c: {  	v11 =	vunpack.i.u.bf16.f32 v12;
	v10 =	vmul.bf16 v10, v13;
	v13 =	vor.u32 v4, v8  }
0x16d: {  	v9 =	vadd.f32 v9, v11;
	v17 =	vld.idx.msk [tilespmem:v14+s0+$0x0], $0xffff  }
0x16e: {  	v11 =	vunpack.i.l.bf16.f32 v10;
	v18 =	vld.idx.msk [tilespmem:v14+s22+$0x0], $0xffff  }
0x16f: {  	v9 =	vadd.f32 v11, v9  }
.Ltmp3:
0x170: {  	v12 =	vor.u32 v5, v8;
	v10 =	vunpack.i.u.bf16.f32 v10;
	v15 =	vmul.bf16 v16, v15;
	(pc) =	sbr.rel @p3 .LBB2_9-.Ltmp3, $4  }
0x171: {  	v10 =	vadd.f32 v9, v10;
	v9 =	vld.idx.msk [tilespmem:v13+s0+$0x0], $0xffff  }
0x172: {  	v14 =	vunpack.i.l.bf16.f32 v15;
	v11 =	vld.idx.msk [tilespmem:v13+s22+$0x0], $0xffff  }
0x173: {  	v14 =	vadd.f32 v14, v10  }
0x174: {  	v15 =	vunpack.i.u.bf16.f32 v15;
	v13 =	vmul.bf16 v18, v17;
	v10 =	vor.u32 v6, v8  }
0x175: {  	_ =	sdelay $0x2  }
0x176: {  	v14 =	vadd.f32 v14, v15  }
0x177: {  	v53 =	vld.idx.msk [tilespmem:v12+s0+$0x0], $0xffff;
	v16 =	vunpack.i.l.bf16.f32 v13  }
0x178: {  	v54 =	vld.idx.msk [tilespmem:v12+s22+$0x0], $0xffff;
	v14 =	vadd.f32 v16, v14  }
0x179: {  	v55 =	vunpack.i.u.bf16.f32 v13;
	v9 =	vmul.bf16 v11, v9  }
0x17a: {  	v8 =	vor.u32 v7, v8;
	v56 =	vadd.f32 v14, v55  }
0x17b: {  	v57 =	vld.idx.msk [tilespmem:v10+s0+$0x0], $0xffff;
	v58 =	vunpack.i.l.bf16.f32 v9  }
0x17c: {  	v59 =	vld.idx.msk [tilespmem:v10+s22+$0x0], $0xffff;
	v11 =	vadd.f32 v58, v56  }
0x17d: {  	v9 =	vunpack.i.u.bf16.f32 v9;
	v12 =	vmul.bf16 v54, v53  }
0x17e: {  	v9 =	vadd.f32 v11, v9  }
0x17f: {  	v60 =	vld.idx.msk [tilespmem:v8+s0+$0x0], $0xffff;
	v61 =	vunpack.i.l.bf16.f32 v12  }
0x180: {  	v8 =	vld.idx.msk [tilespmem:v8+s22+$0x0], $0xffff;
	v9 =	vadd.f32 v61, v9  }
0x181: {  	v10 =	vmul.bf16 v59, v57;
	v12 =	vunpack.i.u.bf16.f32 v12  }
0x182: {  	v9 =	vadd.f32 v9, v12  }
0x183: {  	v62 =	vunpack.i.l.bf16.f32 v10  }
0x184: {  	v9 =	vadd.f32 v62, v9  }
0x185: {  	v10 =	vunpack.i.u.bf16.f32 v10;
	v8 =	vmul.bf16 v8, v60  }
0x186: {  	v9 =	vadd.f32 v9, v10  }
0x187: {  	v63 =	vunpack.i.l.bf16.f32 v8  }
0x188: {  	s7 =	simm.s32 @!p1 $0x8;
	v9 =	vadd.f32 v63, v9  }
.Ltmp4:
0x189: {  	_ =	swait.ge @!p1 [sflag:s7], $0x10;
	v8 =	vunpack.i.u.bf16.f32 v8;
	(pc) =	sbr.rel @p2 .LBB2_12-.Ltmp4, $4  }
0x18a: {  	s12 =	sadd.s32 s8, s11;
	[sflag:s7] =	ssyncset.done @!p1 $0x0;
	v8 =	vadd.f32 v9, v8  }
0x18b: {  	s17 =	sshrl.u32 s12, $0x3;
	[sflag:s7] =	ssyncadd.s32 @!p1 $0xFFFFFFF0  }
0x18c: {  	s7 =	sadd.s32 s5, s17;
	[tilespmem:$0xFB10] =	vst v8  }
0x18d: {  	[hbm4b:s7+s3] =	stream.linear.scatter [tilespmem:s6], [sflag:$0x8], $0x10, $0x38;
	[tilespmem:$0xFB20] =	vst v63  }
.Ltmp5:
0x18e: {  	(pc) =	sbr.rel .LBB2_2-.Ltmp5, $4  }
0x18f: {  	s7 =	sadd.s32 $0x9CB0, s8  }
0x190: {  	[tilespmem:s0], [sflag:$0x4] =	stream.indirect.gather [spmem:s2], $0x40, s7, s19, $0xb8;
	[tilespmem:$0xFB20] =	vst v63  }
0x191: {  	s17 =	sadd.s32 $0xBC00, s8;
	s15 =	sadd.s32 $0x1, s15  }
0x192: {  	[tilespmem:s22], [sflag:$0x4] =	stream.indirect.gather [spmem:s2], $0x40, s17, s19, $0xb8;
	[tilespmem:$0xFB20] =	vst v63  }
.LBB2_12:
0x193: {  	s8 =	simm.s32 $0x0  }
0x194: {  	v8 =	vmov s8  }
0x195: {  	v8 =	vshrl.u32 v8, $0x3  }
0x196: {  	v8 =	vshll.u32 v8, $0x3  }
0x197: {  	v8 =	vbroadcast v8, $0x0  }
0x198: {  	_ =	swait.ge [sflag:s24], $0x400  }
0x199: {  	[sflag:s24] =	ssyncset.done $0x0;
	v9 =	vor.u32 v0, v8  }
0x19a: {  	[sflag:s24] =	ssyncadd.s32 $0xFFFFFC00  }
0x19b: {  	_ =	swait.ge [sflag:s24], $0x400  }
0x19c: {  	[sflag:s24] =	ssyncset.done $0x0  }
0x19d: {  	[sflag:s24] =	ssyncadd.s32 $0xFFFFFC00;
	v10 =	vor.u32 v1, v8  }
0x19e: {  	v11 =	vld.idx.msk [tilespmem:v9+s20+$0x0], $0xffff  }
0x19f: {  	v9 =	vld.idx.msk [tilespmem:v9+s21+$0x0], $0xffff;
	_ =	sdelay $0x1  }
0x1a0: {  	v12 =	vor.u32 v2, v8  }
0x1a1: {  	v13 =	vld.idx.msk [tilespmem:v10+s20+$0x0], $0xffff  }
0x1a2: {  	v10 =	vld.idx.msk [tilespmem:v10+s21+$0x0], $0xffff  }
0x1a3: {  	v9 =	vmul.bf16 v9, v11  }
0x1a4: {  	v11 =	vor.u32 v3, v8  }
0x1a5: {  	v14 =	vimm.f32 $0.0e+00;
	v15 =	vld.idx.msk [tilespmem:v12+s20+$0x0], $0xffff;
	v16 =	vunpack.i.l.bf16.f32 v9  }
0x1a6: {  	v12 =	vld.idx.msk [tilespmem:v12+s21+$0x0], $0xffff;
	v14 =	vadd.f32 v16, v14  }
0x1a7: {  	v10 =	vmul.bf16 v10, v13;
	v9 =	vunpack.i.u.bf16.f32 v9  }
0x1a8: {  	v13 =	vor.u32 v4, v8;
	v9 =	vadd.f32 v14, v9  }
0x1a9: {  	v16 =	vld.idx.msk [tilespmem:v11+s20+$0x0], $0xffff;
	v14 =	vunpack.i.l.bf16.f32 v10  }
0x1aa: {  	v17 =	vld.idx.msk [tilespmem:v11+s21+$0x0], $0xffff;
	v9 =	vadd.f32 v14, v9  }
0x1ab: {  	v15 =	vmul.bf16 v12, v15;
	v12 =	vor.u32 v5, v8;
	v10 =	vunpack.i.u.bf16.f32 v10  }
0x1ac: {  	v10 =	vadd.f32 v9, v10  }
0x1ad: {  	v11 =	vunpack.i.l.bf16.f32 v15;
	v9 =	vld.idx.msk [tilespmem:v13+s20+$0x0], $0xffff  }
0x1ae: {  	v14 =	vadd.f32 v11, v10;
	v11 =	vld.idx.msk [tilespmem:v13+s21+$0x0], $0xffff  }
0x1af: {  	v15 =	vunpack.i.u.bf16.f32 v15;
	v13 =	vmul.bf16 v17, v16;
	v10 =	vor.u32 v6, v8  }
.LBB2_13:
0x1b0: {  	s8 =	sadd.s32 $0x8, s8;
	v14 =	vadd.f32 v14, v15;
	v15 =	vld.idx.msk [tilespmem:v12+s20+$0x0], $0xffff  }
0x1b1: {  	v16 =	vmov s8;
	v17 =	vunpack.i.l.bf16.f32 v13;
	v12 =	vld.idx.msk [tilespmem:v12+s21+$0x0], $0xffff  }
0x1b2: {  	p1 =	slt.u32 s8, $0x38;
	v16 =	vshrl.u32 v16, $0x3;
	v14 =	vadd.f32 v17, v14  }
0x1b3: {  	v13 =	vunpack.i.u.bf16.f32 v13;
	v9 =	vmul.bf16 v11, v9;
	v11 =	vor.u32 v7, v8  }
0x1b4: {  	v8 =	vshll.u32 v16, $0x3;
	v13 =	vadd.f32 v14, v13;
	v14 =	vld.idx.msk [tilespmem:v10+s20+$0x0], $0xffff  }
0x1b5: {  	v8 =	vbroadcast v8, $0x0;
	v16 =	vunpack.i.l.bf16.f32 v9;
	v10 =	vld.idx.msk [tilespmem:v10+s21+$0x0], $0xffff  }
0x1b6: {  	v13 =	vadd.f32 v16, v13  }
0x1b7: {  	v9 =	vunpack.i.u.bf16.f32 v9;
	v16 =	vor.u32 v0, v8;
	v12 =	vmul.bf16 v12, v15  }
0x1b8: {  	v9 =	vadd.f32 v13, v9;
	v13 =	vld.idx.msk [tilespmem:v11+s20+$0x0], $0xffff  }
0x1b9: {  	v15 =	vunpack.i.l.bf16.f32 v12;
	v11 =	vld.idx.msk [tilespmem:v11+s21+$0x0], $0xffff  }
0x1ba: {  	v9 =	vadd.f32 v15, v9  }
0x1bb: {  	v12 =	vunpack.i.u.bf16.f32 v12;
	v15 =	vor.u32 v1, v8;
	v10 =	vmul.bf16 v10, v14  }
0x1bc: {  	v14 =	vld.idx.msk [tilespmem:v16+s20+$0x0], $0xffff;
	v9 =	vadd.f32 v9, v12  }
0x1bd: {  	v12 =	vld.idx.msk [tilespmem:v16+s21+$0x0], $0xffff;
	v16 =	vunpack.i.l.bf16.f32 v10  }
0x1be: {  	v9 =	vadd.f32 v16, v9  }
0x1bf: {  	v10 =	vunpack.i.u.bf16.f32 v10;
	v16 =	vor.u32 v2, v8;
	v11 =	vmul.bf16 v11, v13  }
0x1c0: {  	v13 =	vld.idx.msk [tilespmem:v15+s20+$0x0], $0xffff;
	v9 =	vadd.f32 v9, v10  }
0x1c1: {  	v10 =	vld.idx.msk [tilespmem:v15+s21+$0x0], $0xffff;
	v15 =	vunpack.i.l.bf16.f32 v11  }
0x1c2: {  	v9 =	vadd.f32 v15, v9  }
0x1c3: {  	v11 =	vunpack.i.u.bf16.f32 v11;
	v12 =	vmul.bf16 v12, v14;
	v14 =	vor.u32 v3, v8  }
0x1c4: {  	v15 =	vld.idx.msk [tilespmem:v16+s20+$0x0], $0xffff;
	v9 =	vadd.f32 v9, v11  }
0x1c5: {  	v11 =	vunpack.i.l.bf16.f32 v12;
	v16 =	vld.idx.msk [tilespmem:v16+s21+$0x0], $0xffff  }
0x1c6: {  	v9 =	vadd.f32 v11, v9  }
0x1c7: {  	v11 =	vunpack.i.u.bf16.f32 v12;
	v10 =	vmul.bf16 v10, v13;
	v13 =	vor.u32 v4, v8  }
0x1c8: {  	v9 =	vadd.f32 v9, v11;
	v17 =	vld.idx.msk [tilespmem:v14+s20+$0x0], $0xffff  }
0x1c9: {  	v11 =	vunpack.i.l.bf16.f32 v10;
	v18 =	vld.idx.msk [tilespmem:v14+s21+$0x0], $0xffff  }
0x1ca: {  	v9 =	vadd.f32 v11, v9  }
.Ltmp6:
0x1cb: {  	v12 =	vor.u32 v5, v8;
	v10 =	vunpack.i.u.bf16.f32 v10;
	v15 =	vmul.bf16 v16, v15;
	(pc) =	sbr.rel @p1 .LBB2_13-.Ltmp6, $4  }
0x1cc: {  	v10 =	vadd.f32 v9, v10;
	v9 =	vld.idx.msk [tilespmem:v13+s20+$0x0], $0xffff  }
0x1cd: {  	v14 =	vunpack.i.l.bf16.f32 v15;
	v11 =	vld.idx.msk [tilespmem:v13+s21+$0x0], $0xffff  }
0x1ce: {  	v14 =	vadd.f32 v14, v10  }
0x1cf: {  	v15 =	vunpack.i.u.bf16.f32 v15;
	v13 =	vmul.bf16 v18, v17;
	v10 =	vor.u32 v6, v8  }
0x1d0: {  	_ =	sdelay $0x2  }
0x1d1: {  	v14 =	vadd.f32 v14, v15  }
0x1d2: {  	v53 =	vld.idx.msk [tilespmem:v12+s20+$0x0], $0xffff;
	v16 =	vunpack.i.l.bf16.f32 v13  }
0x1d3: {  	v54 =	vld.idx.msk [tilespmem:v12+s21+$0x0], $0xffff;
	v14 =	vadd.f32 v16, v14  }
0x1d4: {  	v55 =	vunpack.i.u.bf16.f32 v13;
	v9 =	vmul.bf16 v11, v9  }
0x1d5: {  	v8 =	vor.u32 v7, v8;
	v56 =	vadd.f32 v14, v55  }
0x1d6: {  	v57 =	vld.idx.msk [tilespmem:v10+s20+$0x0], $0xffff;
	v58 =	vunpack.i.l.bf16.f32 v9  }
0x1d7: {  	v59 =	vld.idx.msk [tilespmem:v10+s21+$0x0], $0xffff;
	v11 =	vadd.f32 v58, v56  }
0x1d8: {  	v9 =	vunpack.i.u.bf16.f32 v9;
	v12 =	vmul.bf16 v54, v53  }
0x1d9: {  	v9 =	vadd.f32 v11, v9  }
0x1da: {  	v60 =	vld.idx.msk [tilespmem:v8+s20+$0x0], $0xffff;
	v61 =	vunpack.i.l.bf16.f32 v12  }
0x1db: {  	v8 =	vld.idx.msk [tilespmem:v8+s21+$0x0], $0xffff;
	v9 =	vadd.f32 v61, v9  }
0x1dc: {  	v10 =	vmul.bf16 v59, v57;
	v12 =	vunpack.i.u.bf16.f32 v12  }
0x1dd: {  	v9 =	vadd.f32 v9, v12  }
0x1de: {  	v62 =	vunpack.i.l.bf16.f32 v10  }
0x1df: {  	v9 =	vadd.f32 v62, v9  }
0x1e0: {  	v10 =	vunpack.i.u.bf16.f32 v10;
	v8 =	vmul.bf16 v8, v60  }
0x1e1: {  	v9 =	vadd.f32 v9, v10  }
0x1e2: {  	v63 =	vunpack.i.l.bf16.f32 v8  }
0x1e3: {  	s8 =	simm.s32 $0x5;
	v9 =	vadd.f32 v63, v9  }
0x1e4: {  	_ =	swait.ge [sflag:s8], $0x10;
	v8 =	vunpack.i.u.bf16.f32 v8  }
0x1e5: {  	[sflag:s8] =	ssyncset.done $0x0;
	v8 =	vadd.f32 v9, v8  }
0x1e6: {  	[sflag:s8] =	ssyncadd.s32 $0xFFFFFFF0  }
0x1e7: {  	s12 =	simm.s32 $0x6;
	s7 =	rddreg [dreg:$0x7];
	[tilespmem:$0xFAE0] =	vst v8  }
0x1e8: {  	[hbm4b:s7+s3] =	stream.linear.scatter [tilespmem:s26], [sflag:$0x5], $0x10, $0x38;
	[tilespmem:$0xFB20] =	vst v63  }
0x1e9: {  	_ =	swait.ge [sflag:s12], $0x10  }
0x1ea: {  	[sflag:s12] =	ssyncset.done $0x0  }
0x1eb: {  	s13 =	simm.s32 $0x7;
	[sflag:s12] =	ssyncadd.s32 $0xFFFFFFF0  }
0x1ec: {  	_ =	swait.ge [sflag:s13], $0x10  }
0x1ed: {  	[sflag:s13] =	ssyncset.done $0x0  }
0x1ee: {  	s15 =	simm.s32 $0x8;
	[sflag:s13] =	ssyncadd.s32 $0xFFFFFFF0  }
0x1ef: {  	_ =	swait.ge [sflag:s15], $0x10  }
0x1f0: {  	[sflag:s15] =	ssyncset.done $0x0  }
0x1f1: {  	[sflag:s15] =	ssyncadd.s32 $0xFFFFFFF0  }
0x1f2: {  	_ =	swait.ge [sflag:s8], $0x10  }
0x1f3: {  	s14 =	sadd.s32 $0x1, s14;
	s17 =	rddreg [dreg:$0x8]  }
0x1f4: {  	p1 =	sne.s32 s14, s17  }
.Ltmp7:
0x1f5: {  	_ = 	snop;
	(pc) =	sbr.rel @p1 .LBB2_1-.Ltmp7, $3  }
0x1f6: {  	_ =	sdelay $0x1  }
0x1f7: {  	[sflag:s8] =	ssyncset.done $0x0  }
0x1f8: {  	[sflag:s8] =	ssyncadd.s32 $0xFFFFFFF0  }
0x1f9: {  	_ =	sfence.sel $0x180000  }
0x1fa: {  	[bflag:$0x0] =	sbarrier.arrive $0xFFFF  }
0x1fb: {  	_ =	strace $0x90000047  }
0x1fc: {  	s0 =	stileid.u32;
	[bflag:$0x2] =	sbarrier.arrive $0xFFFF  }
0x1fd: {  	p0 =	sne.s32 s0, $0x0;
	s0 =	rddreg [dreg:$0x3]  }
0x1fe: {  	s0 =	sadd.s32 @!p0 $0x100000, s0  }
0x1ff: {  	[sflag:s0] =	ssyncadd.tile.s32 @!p0 $0x1;
	_ =	shalt  }
.Lfunc_end2:
_tile_overlayer_lowered:
.L_overlay_start_2:
0x200: {  	(tag) =	ssettag $0x2  }
0x201: {  	s0 =	rddreg [dreg:$0x0];
	s2 =	stileid.u32  }
0x202: {  	s1 =	rddreg [dreg:$0x1];
	p0 =	sne.s32 s2, $0x0  }
0x203: {  	s3 =	rddreg [dreg:$0x2];
	[bflag:$0x3] =	sbarrier.arrive $0xFFFF;
	s2 =	simm.s32 @!p0 $0x1C09  }
0x204: {  	[timem:s3], [sflag:s2] =	dma.local @!p0 [hbm:s0], s1  }
0x205: {  	s0 =	simm.s32 @!p0 $0x9  }
0x206: {  	_ =	swait.ge @!p0 [sflag:s0], s1  }
0x207: {  	s1 =	ssub.s32 @!p0 $0x0, s1;
	[sflag:s0] =	ssyncset.done @!p0 $0x0  }
0x208: {  	[sflag:s0] =	ssyncadd.s32 @!p0 s1  }
0x209: {  	[bflag:$0x3] =	sbarrier.arrive $0xFFFF  }
0x20a: {  	_ =	shalt  }

</sc_bundles>
